<compile_context>
chip_gen: v7x
topology: tpu7x:2x2x1
jax: 0.10.2.dev20260603
libtpu: 0.0.44.dev20260713+nightly
codegen_flags: <defaults>
</compile_context>

<pallas_src>
import functools

import jax
import jax.numpy as jnp
from jax import lax
from jax.experimental import pallas as pl
from jax.experimental.pallas import tpu as pltpu
from jax.experimental.pallas import tpu_sc as plsc

BATCH = 16384
EMBED = 64
NFEAT = 26
PAIR = 2 * EMBED
VOCAB = 1000000

_T = 8192
_W = 4 * _T
_TGRID = -(-VOCAB // _W)
_HPACK = _TGRID * _T

_NW = 32
_BPW = BATCH // _NW
_CHUNK = 128
_NCH = _BPW // _CHUNK


def _pack2(a16, b16):
    ai = lax.convert_element_type(
        lax.bitcast_convert_type(a16, jnp.uint16), jnp.uint32)
    bi = lax.convert_element_type(
        lax.bitcast_convert_type(b16, jnp.uint16), jnp.uint32)
    return lax.bitcast_convert_type((bi << 16) | ai, jnp.float32)


def _tc_transpose_body(ut_ref, it_ref, u4_ref, i4_ref):
    for src, dst in ((ut_ref, u4_ref), (it_ref, i4_ref)):
        x = src[...].astype(jnp.bfloat16)
        t = [lax.transpose(x[:, k * _T:(k + 1) * _T], (1, 0))
             for k in range(4)]
        dst[...] = jnp.concatenate(
            [_pack2(t[0], t[1]), _pack2(t[2], t[3])], axis=1)


_tc_transpose = pl.pallas_call(
    _tc_transpose_body,
    grid=(_TGRID,),
    in_specs=[
        pl.BlockSpec((EMBED, _W), lambda j: (0, j)),
        pl.BlockSpec((EMBED, _W), lambda j: (0, j)),
    ],
    out_specs=[
        pl.BlockSpec((_T, PAIR), lambda j: (j, 0)),
        pl.BlockSpec((_T, PAIR), lambda j: (j, 0)),
    ],
    out_shape=[
        jax.ShapeDtypeStruct((_HPACK, PAIR), jnp.float32),
        jax.ShapeDtypeStruct((_HPACK, PAIR), jnp.float32),
    ],
    compiler_params=pltpu.CompilerParams(
        vmem_limit_bytes=100 * 1024 * 1024),
)


def _sc_gather_body(uemb, iemb, upidx, ipidx, out_u, out_i, idx_v, rows, sem):
    wid = lax.axis_index("s") * 2 + lax.axis_index("c")
    base = wid * _BPW
    pltpu.sync_copy(upidx.at[wid], idx_v)
    ops = [
        pltpu.async_copy(uemb.at[idx_v.at[j]],
                         rows.at[pl.ds(j * _CHUNK, _CHUNK)], sem)
        for j in range(_NCH)
    ]
    for o in ops:
        o.wait()
    pltpu.sync_copy(rows, out_u.at[pl.ds(base, _BPW)])
    pltpu.sync_copy(ipidx.at[wid], idx_v)
    ops = [
        pltpu.async_copy(iemb.at[idx_v.at[j]],
                         rows.at[pl.ds(j * _CHUNK, _CHUNK)], sem)
        for j in range(_NCH)
    ]
    for o in ops:
        o.wait()
    pltpu.sync_copy(rows, out_i.at[pl.ds(base, _BPW)])


@functools.lru_cache(maxsize=1)
def _make_sc_gather():
    return pl.kernel(
        _sc_gather_body,
        mesh=plsc.VectorSubcoreMesh(core_axis_name="c", subcore_axis_name="s"),
        out_type=[
            jax.ShapeDtypeStruct((BATCH, PAIR), jnp.float32),
            jax.ShapeDtypeStruct((BATCH, PAIR), jnp.float32),
        ],
        scratch_types=[
            pltpu.VMEM((_NCH, _CHUNK), jnp.int32),
            pltpu.VMEM((_BPW, PAIR), jnp.float32),
            pltpu.SemaphoreType.DMA,
        ],
        compiler_params=pltpu.CompilerParams(use_tc_tiling_on_sc=True),
    )


_TC_BLOCK = 2048
_TC_GRID = BATCH // _TC_BLOCK


def _unpack(packed_ref, sel):
    gi = lax.bitcast_convert_type(packed_ref[...], jnp.uint32)
    grp = jnp.where(sel >= 2, gi[:, EMBED:], gi[:, :EMBED])
    bits = jnp.where((sel & 1) == 1,
                     grp & jnp.uint32(0xFFFF0000), grp << 16)
    return lax.bitcast_convert_type(bits, jnp.float32)


def _tc_combine_body(up_ref, ip_ref, usel_ref, isel_ref, uft_ref, ift_ref,
                     wu_ref, bu_ref, wi_ref, bi_ref, out_ref):
    dn = (((0,), (0,)), ((), ()))
    pu = lax.dot_general(uft_ref[...], wu_ref[...], dn,
                         preferred_element_type=jnp.float32) + bu_ref[...]
    pi = lax.dot_general(ift_ref[...], wi_ref[...], dn,
                         preferred_element_type=jnp.float32) + bi_ref[...]
    ug = _unpack(up_ref, usel_ref[...])
    ig = _unpack(ip_ref, isel_ref[...])
    out_ref[...] = jnp.sum((ug + pu) * (ig + pi), axis=1, keepdims=True)


_tc_combine = pl.pallas_call(
    _tc_combine_body,
    grid=(_TC_GRID,),
    in_specs=[
        pl.BlockSpec((_TC_BLOCK, PAIR), lambda i: (i, 0)),
        pl.BlockSpec((_TC_BLOCK, PAIR), lambda i: (i, 0)),
        pl.BlockSpec((_TC_BLOCK, 1), lambda i: (i, 0)),
        pl.BlockSpec((_TC_BLOCK, 1), lambda i: (i, 0)),
        pl.BlockSpec((NFEAT, _TC_BLOCK), lambda i: (0, i)),
        pl.BlockSpec((NFEAT, _TC_BLOCK), lambda i: (0, i)),
        pl.BlockSpec((NFEAT, EMBED), lambda i: (0, 0)),
        pl.BlockSpec((1, EMBED), lambda i: (0, 0)),
        pl.BlockSpec((NFEAT, EMBED), lambda i: (0, 0)),
        pl.BlockSpec((1, EMBED), lambda i: (0, 0)),
    ],
    out_specs=pl.BlockSpec((_TC_BLOCK, 1), lambda i: (i, 0)),
    out_shape=jax.ShapeDtypeStruct((BATCH, 1), jnp.float32),
)


def _pack_coords(idx):
    j = idx // _W
    w = idx - j * _W
    prow = j * _T + lax.rem(w, _T)
    sel = w // _T
    return prow, sel


def kernel(user_indices, item_indices, user_features, item_features,
           user_emb, item_emb, Wu, bu, Wi, bi):
    ui = user_indices.astype(jnp.int32)
    ii = item_indices.astype(jnp.int32)
    uprow, usel = _pack_coords(ui)
    iprow, isel = _pack_coords(ii)
    upidx = uprow.reshape(_NW, _NCH, _CHUNK)
    ipidx = iprow.reshape(_NW, _NCH, _CHUNK)
    u4, i4 = _tc_transpose(user_emb.T, item_emb.T)
    pairs_u, pairs_i = _make_sc_gather()(u4, i4, upidx, ipidx)
    out = _tc_combine(pairs_u, pairs_i,
                      usel.reshape(BATCH, 1), isel.reshape(BATCH, 1),
                      user_features.T, item_features.T,
                      Wu, bu.reshape(1, EMBED), Wi, bi.reshape(1, EMBED))
    return out.reshape(BATCH)

# --- scband reference (transcript-rebuilt; emitter-appended) ---
"""Pipeline reference for scband-two-tower-model-85787676770846 (READ-ONLY COPY).

The authoritative reference and input builder live on the scoring server;
editing this copy changes nothing except your own understanding.
"""

import jax, jax.numpy as jnp
import numpy as np

NUM_USERS = 1000000
NUM_ITEMS = 1000000
EMBED_DIM = 64
NUM_USER_FEATURES = 26
NUM_ITEM_FEATURES = 26
BATCH = 16384


def setup_inputs(seed: int = 0) -> dict:
    key = jax.random.key(seed)
    k1, k2, k3, k4, k5, k6, k7, k8, k9, k10 = jax.random.split(key, 10)
    user_indices = jax.random.randint(k1, (BATCH,), 0, NUM_USERS, dtype=jnp.int64 if jax.config.jax_enable_x64 else jnp.int32)
    item_indices = jax.random.randint(k2, (BATCH,), 0, NUM_ITEMS, dtype=jnp.int64 if jax.config.jax_enable_x64 else jnp.int32)
    user_features = jax.random.normal(k3, (BATCH, NUM_USER_FEATURES), dtype=jnp.float32)
    item_features = jax.random.normal(k4, (BATCH, NUM_ITEM_FEATURES), dtype=jnp.float32)
    # learned parameters
    user_emb = jax.random.normal(k5, (NUM_USERS, EMBED_DIM), dtype=jnp.float32)
    item_emb = jax.random.normal(k6, (NUM_ITEMS, EMBED_DIM), dtype=jnp.float32)
    bound_u = 1.0 / np.sqrt(NUM_USER_FEATURES)
    bound_i = 1.0 / np.sqrt(NUM_ITEM_FEATURES)
    Wu = jax.random.uniform(k7, (NUM_USER_FEATURES, EMBED_DIM), minval=-bound_u, maxval=bound_u, dtype=jnp.float32)
    bu = jax.random.uniform(k8, (EMBED_DIM,), minval=-bound_u, maxval=bound_u, dtype=jnp.float32)
    Wi = jax.random.uniform(k9, (NUM_ITEM_FEATURES, EMBED_DIM), minval=-bound_i, maxval=bound_i, dtype=jnp.float32)
    bi = jax.random.uniform(k10, (EMBED_DIM,), minval=-bound_i, maxval=bound_i, dtype=jnp.float32)
    return {
        "user_indices": user_indices,
        "item_indices": item_indices,
        "user_features": user_features,
        "item_features": item_features,
        "user_emb": user_emb,
        "item_emb": item_emb,
        "Wu": Wu,
        "bu": bu,
        "Wi": Wi,
        "bi": bi,
    }


def reference(user_indices, item_indices, user_features, item_features, user_emb, item_emb, Wu, bu, Wi, bi):
    # user tower: embedding gather + linear feature projection
    user_embed = jnp.take(user_emb, user_indices, axis=0) + (user_features @ Wu + bu)
    # item tower
    item_embed = jnp.take(item_emb, item_indices, axis=0) + (item_features @ Wi + bi)
    # dot-product score
    return jnp.sum(user_embed * item_embed, axis=1)

if __name__ == "__main__":
    import jax
    _d = setup_inputs()
    print(jax.jit(kernel)(*tuple(_d.values())))

</pallas_src>

<mosaic_0001>
#map = affine_map<(d0, d1) -> (0, 0)>
#map1 = affine_map<(d0, d1) -> (0, 0, 0)>
module attributes {stable_mosaic.version = 14 : i64} {
  func.func @_sc_gather_body(%arg0: i32, %arg1: i32, %arg2: memref<253952x128xf32, #tpu.memory_space<hbm>>, %arg3: memref<253952x128xf32, #tpu.memory_space<hbm>>, %arg4: memref<32x4x128xi32, #tpu.memory_space<hbm>>, %arg5: memref<32x4x128xi32, #tpu.memory_space<hbm>>, %arg6: memref<16384x128xf32, #tpu.memory_space<hbm>>, %arg7: memref<16384x128xf32, #tpu.memory_space<hbm>>, %arg8: memref<4x128xi32, #tpu.memory_space<vmem>>, %arg9: memref<512x128xf32, #tpu.memory_space<vmem>>, %arg10: memref<!tpu.dma_semaphore, #tpu.memory_space<semaphore_mem>>) attributes {dimension_semantics = [#tpu.dimension_semantics<core_parallel>, #tpu.dimension_semantics<subcore_parallel>], iteration_bounds = array<i64: 2, 16>, scalar_prefetch = 0 : i64, scratch_operands = 3 : i64, tpu.core_type = #tpu.core_type<sc_vector_subcore>, window_params = [{transform_indices = #map}, {transform_indices = #map}, {transform_indices = #map1}, {transform_indices = #map1}, {transform_indices = #map}, {transform_indices = #map}]} {
    %mul3A = arith.constant 2 : i32
    %mul3A_0 = arith.muli %arg1, %mul3A : i32
    %add3A = arith.addi %mul3A_0, %arg0 : i32
    %mul3A_1 = arith.constant 512 : i32
    %mul3A_2 = arith.muli %add3A, %mul3A_1 : i32
    "tpu.region"() ({
      %run_scoped3A = tpu.sem_alloc : memref<!tpu.dma_semaphore, #tpu.memory_space<semaphore_mem>>
      %dma_start3A_161 = arith.constant 0 : i32
      %dma_start3A_162 = arith.constant 0 : i32
      %dma_start3A_163 = tpu.memref_slice %arg4[%add3A, %dma_start3A_161, %dma_start3A_162] : memref<32x4x128xi32, #tpu.memory_space<hbm>> -> memref<1x4x128xi32, #tpu.memory_space<hbm>>
      %dma_start3A_164 = tpu.memref_squeeze %dma_start3A_163 : memref<1x4x128xi32, #tpu.memory_space<hbm>> -> memref<4x128xi32, #tpu.memory_space<hbm>>
      %dma_start3A_165 = arith.constant 0 : i32
      %dma_start3A_166 = arith.constant 0 : i32
      %dma_start3A_167 = tpu.memref_slice %arg4[%add3A, %dma_start3A_165, %dma_start3A_166] : memref<32x4x128xi32, #tpu.memory_space<hbm>> -> memref<1x4x128xi32, #tpu.memory_space<hbm>>
      %dma_start3A_168 = tpu.memref_squeeze %dma_start3A_167 : memref<1x4x128xi32, #tpu.memory_space<hbm>> -> memref<4x128xi32, #tpu.memory_space<hbm>>
      tpu.enqueue_dma source(%dma_start3A_168 : memref<4x128xi32, #tpu.memory_space<hbm>>) target(%arg8 : memref<4x128xi32, #tpu.memory_space<vmem>>) target_semaphore(%run_scoped3A : memref<!tpu.dma_semaphore, #tpu.memory_space<semaphore_mem>>)
      %dma_wait3A_169 = arith.constant 0 : i32
      %dma_wait3A_170 = arith.constant 0 : i32
      %dma_wait3A_171 = tpu.memref_slice %arg4[%add3A, %dma_wait3A_169, %dma_wait3A_170] : memref<32x4x128xi32, #tpu.memory_space<hbm>> -> memref<1x4x128xi32, #tpu.memory_space<hbm>>
      %dma_wait3A_172 = tpu.memref_squeeze %dma_wait3A_171 : memref<1x4x128xi32, #tpu.memory_space<hbm>> -> memref<4x128xi32, #tpu.memory_space<hbm>>
      %dma_wait3A_173 = arith.constant 0 : i32
      %dma_wait3A_174 = arith.constant 0 : i32
      %dma_wait3A_175 = tpu.memref_slice %arg4[%add3A, %dma_wait3A_173, %dma_wait3A_174] : memref<32x4x128xi32, #tpu.memory_space<hbm>> -> memref<1x4x128xi32, #tpu.memory_space<hbm>>
      %dma_wait3A_176 = tpu.memref_squeeze %dma_wait3A_175 : memref<1x4x128xi32, #tpu.memory_space<hbm>> -> memref<4x128xi32, #tpu.memory_space<hbm>>
      tpu.wait_dma2 semaphore(%run_scoped3A : memref<!tpu.dma_semaphore, #tpu.memory_space<semaphore_mem>>) src(%dma_wait3A_176 : memref<4x128xi32, #tpu.memory_space<hbm>>) dst(%arg8 : memref<4x128xi32, #tpu.memory_space<vmem>>)
      tpu.yield
    }) : () -> ()
    %dma_start3A = arith.constant 0 : i32
    %dma_start3A_3 = arith.constant 0 : i32
    %dma_start3A_4 = arith.constant 0 : i32
    %dma_start3A_5 = tpu.memref_slice %arg9[%dma_start3A_3, %dma_start3A_4] : memref<512x128xf32, #tpu.memory_space<vmem>> -> memref<128x128xf32, #tpu.memory_space<vmem>>
    %dma_start3A_6 = arith.constant 0 : i32
    %dma_start3A_7 = tpu.memref_slice %arg8[%dma_start3A, %dma_start3A_6] : memref<4x128xi32, #tpu.memory_space<vmem>> -> memref<1x128xi32, #tpu.memory_space<vmem>>
    %dma_start3A_8 = tpu.memref_squeeze %dma_start3A_7 : memref<1x128xi32, #tpu.memory_space<vmem>> -> memref<128xi32, #tpu.memory_space<vmem>>
    %dma_start3A_9 = arith.constant 0 : i32
    %dma_start3A_10 = arith.constant 0 : i32
    %dma_start3A_11 = tpu.memref_slice %arg2[%dma_start3A_9, %dma_start3A_10] : memref<253952x128xf32, #tpu.memory_space<hbm>> -> memref<253952x128xf32, #tpu.memory_space<hbm>>
    tpu.enqueue_indirect_dma source(%dma_start3A_11 : memref<253952x128xf32, #tpu.memory_space<hbm>>) target(%dma_start3A_5 : memref<128x128xf32, #tpu.memory_space<vmem>>) offsets(%dma_start3A_8 : memref<128xi32, #tpu.memory_space<vmem>>) semaphore(%arg10 : memref<!tpu.dma_semaphore, #tpu.memory_space<semaphore_mem>>)
    %dma_start3A_12 = arith.constant 1 : i32
    %dma_start3A_13 = arith.constant 128 : i32
    %dma_start3A_14 = arith.constant 0 : i32
    %dma_start3A_15 = tpu.memref_slice %arg9[%dma_start3A_13, %dma_start3A_14] : memref<512x128xf32, #tpu.memory_space<vmem>> -> memref<128x128xf32, #tpu.memory_space<vmem>>
    %dma_start3A_16 = arith.constant 0 : i32
    %dma_start3A_17 = tpu.memref_slice %arg8[%dma_start3A_12, %dma_start3A_16] : memref<4x128xi32, #tpu.memory_space<vmem>> -> memref<1x128xi32, #tpu.memory_space<vmem>>
    %dma_start3A_18 = tpu.memref_squeeze %dma_start3A_17 : memref<1x128xi32, #tpu.memory_space<vmem>> -> memref<128xi32, #tpu.memory_space<vmem>>
    %dma_start3A_19 = arith.constant 0 : i32
    %dma_start3A_20 = arith.constant 0 : i32
    %dma_start3A_21 = tpu.memref_slice %arg2[%dma_start3A_19, %dma_start3A_20] : memref<253952x128xf32, #tpu.memory_space<hbm>> -> memref<253952x128xf32, #tpu.memory_space<hbm>>
    tpu.enqueue_indirect_dma source(%dma_start3A_21 : memref<253952x128xf32, #tpu.memory_space<hbm>>) target(%dma_start3A_15 : memref<128x128xf32, #tpu.memory_space<vmem>>) offsets(%dma_start3A_18 : memref<128xi32, #tpu.memory_space<vmem>>) semaphore(%arg10 : memref<!tpu.dma_semaphore, #tpu.memory_space<semaphore_mem>>)
    %dma_start3A_22 = arith.constant 2 : i32
    %dma_start3A_23 = arith.constant 256 : i32
    %dma_start3A_24 = arith.constant 0 : i32
    %dma_start3A_25 = tpu.memref_slice %arg9[%dma_start3A_23, %dma_start3A_24] : memref<512x128xf32, #tpu.memory_space<vmem>> -> memref<128x128xf32, #tpu.memory_space<vmem>>
    %dma_start3A_26 = arith.constant 0 : i32
    %dma_start3A_27 = tpu.memref_slice %arg8[%dma_start3A_22, %dma_start3A_26] : memref<4x128xi32, #tpu.memory_space<vmem>> -> memref<1x128xi32, #tpu.memory_space<vmem>>
    %dma_start3A_28 = tpu.memref_squeeze %dma_start3A_27 : memref<1x128xi32, #tpu.memory_space<vmem>> -> memref<128xi32, #tpu.memory_space<vmem>>
    %dma_start3A_29 = arith.constant 0 : i32
    %dma_start3A_30 = arith.constant 0 : i32
    %dma_start3A_31 = tpu.memref_slice %arg2[%dma_start3A_29, %dma_start3A_30] : memref<253952x128xf32, #tpu.memory_space<hbm>> -> memref<253952x128xf32, #tpu.memory_space<hbm>>
    tpu.enqueue_indirect_dma source(%dma_start3A_31 : memref<253952x128xf32, #tpu.memory_space<hbm>>) target(%dma_start3A_25 : memref<128x128xf32, #tpu.memory_space<vmem>>) offsets(%dma_start3A_28 : memref<128xi32, #tpu.memory_space<vmem>>) semaphore(%arg10 : memref<!tpu.dma_semaphore, #tpu.memory_space<semaphore_mem>>)
    %dma_start3A_32 = arith.constant 3 : i32
    %dma_start3A_33 = arith.constant 384 : i32
    %dma_start3A_34 = arith.constant 0 : i32
    %dma_start3A_35 = tpu.memref_slice %arg9[%dma_start3A_33, %dma_start3A_34] : memref<512x128xf32, #tpu.memory_space<vmem>> -> memref<128x128xf32, #tpu.memory_space<vmem>>
    %dma_start3A_36 = arith.constant 0 : i32
    %dma_start3A_37 = tpu.memref_slice %arg8[%dma_start3A_32, %dma_start3A_36] : memref<4x128xi32, #tpu.memory_space<vmem>> -> memref<1x128xi32, #tpu.memory_space<vmem>>
    %dma_start3A_38 = tpu.memref_squeeze %dma_start3A_37 : memref<1x128xi32, #tpu.memory_space<vmem>> -> memref<128xi32, #tpu.memory_space<vmem>>
    %dma_start3A_39 = arith.constant 0 : i32
    %dma_start3A_40 = arith.constant 0 : i32
    %dma_start3A_41 = tpu.memref_slice %arg2[%dma_start3A_39, %dma_start3A_40] : memref<253952x128xf32, #tpu.memory_space<hbm>> -> memref<253952x128xf32, #tpu.memory_space<hbm>>
    tpu.enqueue_indirect_dma source(%dma_start3A_41 : memref<253952x128xf32, #tpu.memory_space<hbm>>) target(%dma_start3A_35 : memref<128x128xf32, #tpu.memory_space<vmem>>) offsets(%dma_start3A_38 : memref<128xi32, #tpu.memory_space<vmem>>) semaphore(%arg10 : memref<!tpu.dma_semaphore, #tpu.memory_space<semaphore_mem>>)
    %dma_wait3A = arith.constant 0 : i32
    %dma_wait3A_42 = arith.constant 0 : i32
    %dma_wait3A_43 = arith.constant 0 : i32
    %dma_wait3A_44 = tpu.memref_slice %arg9[%dma_wait3A_42, %dma_wait3A_43] : memref<512x128xf32, #tpu.memory_space<vmem>> -> memref<128x128xf32, #tpu.memory_space<vmem>>
    %dma_wait3A_45 = arith.constant 0 : i32
    %dma_wait3A_46 = tpu.memref_slice %arg8[%dma_wait3A, %dma_wait3A_45] : memref<4x128xi32, #tpu.memory_space<vmem>> -> memref<1x128xi32, #tpu.memory_space<vmem>>
    %dma_wait3A_47 = tpu.memref_squeeze %dma_wait3A_46 : memref<1x128xi32, #tpu.memory_space<vmem>> -> memref<128xi32, #tpu.memory_space<vmem>>
    %dma_wait3A_48 = arith.constant 0 : i32
    %dma_wait3A_49 = arith.constant 0 : i32
    %dma_wait3A_50 = tpu.memref_slice %arg2[%dma_wait3A_48, %dma_wait3A_49] : memref<253952x128xf32, #tpu.memory_space<hbm>> -> memref<253952x128xf32, #tpu.memory_space<hbm>>
    tpu.wait_indirect_dma semaphore(%arg10 : memref<!tpu.dma_semaphore, #tpu.memory_space<semaphore_mem>>) src(%dma_wait3A_50 : memref<253952x128xf32, #tpu.memory_space<hbm>>) dst(%dma_wait3A_44 : memref<128x128xf32, #tpu.memory_space<vmem>>)
    %dma_wait3A_51 = arith.constant 1 : i32
    %dma_wait3A_52 = arith.constant 128 : i32
    %dma_wait3A_53 = arith.constant 0 : i32
    %dma_wait3A_54 = tpu.memref_slice %arg9[%dma_wait3A_52, %dma_wait3A_53] : memref<512x128xf32, #tpu.memory_space<vmem>> -> memref<128x128xf32, #tpu.memory_space<vmem>>
    %dma_wait3A_55 = arith.constant 0 : i32
    %dma_wait3A_56 = tpu.memref_slice %arg8[%dma_wait3A_51, %dma_wait3A_55] : memref<4x128xi32, #tpu.memory_space<vmem>> -> memref<1x128xi32, #tpu.memory_space<vmem>>
    %dma_wait3A_57 = tpu.memref_squeeze %dma_wait3A_56 : memref<1x128xi32, #tpu.memory_space<vmem>> -> memref<128xi32, #tpu.memory_space<vmem>>
    %dma_wait3A_58 = arith.constant 0 : i32
    %dma_wait3A_59 = arith.constant 0 : i32
    %dma_wait3A_60 = tpu.memref_slice %arg2[%dma_wait3A_58, %dma_wait3A_59] : memref<253952x128xf32, #tpu.memory_space<hbm>> -> memref<253952x128xf32, #tpu.memory_space<hbm>>
    tpu.wait_indirect_dma semaphore(%arg10 : memref<!tpu.dma_semaphore, #tpu.memory_space<semaphore_mem>>) src(%dma_wait3A_60 : memref<253952x128xf32, #tpu.memory_space<hbm>>) dst(%dma_wait3A_54 : memref<128x128xf32, #tpu.memory_space<vmem>>)
    %dma_wait3A_61 = arith.constant 2 : i32
    %dma_wait3A_62 = arith.constant 256 : i32
    %dma_wait3A_63 = arith.constant 0 : i32
    %dma_wait3A_64 = tpu.memref_slice %arg9[%dma_wait3A_62, %dma_wait3A_63] : memref<512x128xf32, #tpu.memory_space<vmem>> -> memref<128x128xf32, #tpu.memory_space<vmem>>
    %dma_wait3A_65 = arith.constant 0 : i32
    %dma_wait3A_66 = tpu.memref_slice %arg8[%dma_wait3A_61, %dma_wait3A_65] : memref<4x128xi32, #tpu.memory_space<vmem>> -> memref<1x128xi32, #tpu.memory_space<vmem>>
    %dma_wait3A_67 = tpu.memref_squeeze %dma_wait3A_66 : memref<1x128xi32, #tpu.memory_space<vmem>> -> memref<128xi32, #tpu.memory_space<vmem>>
    %dma_wait3A_68 = arith.constant 0 : i32
    %dma_wait3A_69 = arith.constant 0 : i32
    %dma_wait3A_70 = tpu.memref_slice %arg2[%dma_wait3A_68, %dma_wait3A_69] : memref<253952x128xf32, #tpu.memory_space<hbm>> -> memref<253952x128xf32, #tpu.memory_space<hbm>>
    tpu.wait_indirect_dma semaphore(%arg10 : memref<!tpu.dma_semaphore, #tpu.memory_space<semaphore_mem>>) src(%dma_wait3A_70 : memref<253952x128xf32, #tpu.memory_space<hbm>>) dst(%dma_wait3A_64 : memref<128x128xf32, #tpu.memory_space<vmem>>)
    %dma_wait3A_71 = arith.constant 3 : i32
    %dma_wait3A_72 = arith.constant 384 : i32
    %dma_wait3A_73 = arith.constant 0 : i32
    %dma_wait3A_74 = tpu.memref_slice %arg9[%dma_wait3A_72, %dma_wait3A_73] : memref<512x128xf32, #tpu.memory_space<vmem>> -> memref<128x128xf32, #tpu.memory_space<vmem>>
    %dma_wait3A_75 = arith.constant 0 : i32
    %dma_wait3A_76 = tpu.memref_slice %arg8[%dma_wait3A_71, %dma_wait3A_75] : memref<4x128xi32, #tpu.memory_space<vmem>> -> memref<1x128xi32, #tpu.memory_space<vmem>>
    %dma_wait3A_77 = tpu.memref_squeeze %dma_wait3A_76 : memref<1x128xi32, #tpu.memory_space<vmem>> -> memref<128xi32, #tpu.memory_space<vmem>>
    %dma_wait3A_78 = arith.constant 0 : i32
    %dma_wait3A_79 = arith.constant 0 : i32
    %dma_wait3A_80 = tpu.memref_slice %arg2[%dma_wait3A_78, %dma_wait3A_79] : memref<253952x128xf32, #tpu.memory_space<hbm>> -> memref<253952x128xf32, #tpu.memory_space<hbm>>
    tpu.wait_indirect_dma semaphore(%arg10 : memref<!tpu.dma_semaphore, #tpu.memory_space<semaphore_mem>>) src(%dma_wait3A_80 : memref<253952x128xf32, #tpu.memory_space<hbm>>) dst(%dma_wait3A_74 : memref<128x128xf32, #tpu.memory_space<vmem>>)
    "tpu.region"() ({
      %run_scoped3A = tpu.sem_alloc : memref<!tpu.dma_semaphore, #tpu.memory_space<semaphore_mem>>
      %dma_start3A_161 = arith.constant 0 : i32
      %dma_start3A_162 = tpu.memref_slice %arg6[%mul3A_2, %dma_start3A_161] : memref<16384x128xf32, #tpu.memory_space<hbm>> -> memref<512x128xf32, #tpu.memory_space<hbm>>
      %dma_start3A_163 = arith.constant 0 : i32
      %dma_start3A_164 = tpu.memref_slice %arg6[%mul3A_2, %dma_start3A_163] : memref<16384x128xf32, #tpu.memory_space<hbm>> -> memref<512x128xf32, #tpu.memory_space<hbm>>
      tpu.enqueue_dma source(%arg9 : memref<512x128xf32, #tpu.memory_space<vmem>>) target(%dma_start3A_164 : memref<512x128xf32, #tpu.memory_space<hbm>>) target_semaphore(%run_scoped3A : memref<!tpu.dma_semaphore, #tpu.memory_space<semaphore_mem>>)
      %dma_wait3A_165 = arith.constant 0 : i32
      %dma_wait3A_166 = tpu.memref_slice %arg6[%mul3A_2, %dma_wait3A_165] : memref<16384x128xf32, #tpu.memory_space<hbm>> -> memref<512x128xf32, #tpu.memory_space<hbm>>
      %dma_wait3A_167 = arith.constant 0 : i32
      %dma_wait3A_168 = tpu.memref_slice %arg6[%mul3A_2, %dma_wait3A_167] : memref<16384x128xf32, #tpu.memory_space<hbm>> -> memref<512x128xf32, #tpu.memory_space<hbm>>
      tpu.wait_dma2 semaphore(%run_scoped3A : memref<!tpu.dma_semaphore, #tpu.memory_space<semaphore_mem>>) src(%arg9 : memref<512x128xf32, #tpu.memory_space<vmem>>) dst(%dma_wait3A_168 : memref<512x128xf32, #tpu.memory_space<hbm>>)
      tpu.yield
    }) : () -> ()
    "tpu.region"() ({
      %run_scoped3A = tpu.sem_alloc : memref<!tpu.dma_semaphore, #tpu.memory_space<semaphore_mem>>
      %dma_start3A_161 = arith.constant 0 : i32
      %dma_start3A_162 = arith.constant 0 : i32
      %dma_start3A_163 = tpu.memref_slice %arg5[%add3A, %dma_start3A_161, %dma_start3A_162] : memref<32x4x128xi32, #tpu.memory_space<hbm>> -> memref<1x4x128xi32, #tpu.memory_space<hbm>>
      %dma_start3A_164 = tpu.memref_squeeze %dma_start3A_163 : memref<1x4x128xi32, #tpu.memory_space<hbm>> -> memref<4x128xi32, #tpu.memory_space<hbm>>
      %dma_start3A_165 = arith.constant 0 : i32
      %dma_start3A_166 = arith.constant 0 : i32
      %dma_start3A_167 = tpu.memref_slice %arg5[%add3A, %dma_start3A_165, %dma_start3A_166] : memref<32x4x128xi32, #tpu.memory_space<hbm>> -> memref<1x4x128xi32, #tpu.memory_space<hbm>>
      %dma_start3A_168 = tpu.memref_squeeze %dma_start3A_167 : memref<1x4x128xi32, #tpu.memory_space<hbm>> -> memref<4x128xi32, #tpu.memory_space<hbm>>
      tpu.enqueue_dma source(%dma_start3A_168 : memref<4x128xi32, #tpu.memory_space<hbm>>) target(%arg8 : memref<4x128xi32, #tpu.memory_space<vmem>>) target_semaphore(%run_scoped3A : memref<!tpu.dma_semaphore, #tpu.memory_space<semaphore_mem>>)
      %dma_wait3A_169 = arith.constant 0 : i32
      %dma_wait3A_170 = arith.constant 0 : i32
      %dma_wait3A_171 = tpu.memref_slice %arg5[%add3A, %dma_wait3A_169, %dma_wait3A_170] : memref<32x4x128xi32, #tpu.memory_space<hbm>> -> memref<1x4x128xi32, #tpu.memory_space<hbm>>
      %dma_wait3A_172 = tpu.memref_squeeze %dma_wait3A_171 : memref<1x4x128xi32, #tpu.memory_space<hbm>> -> memref<4x128xi32, #tpu.memory_space<hbm>>
      %dma_wait3A_173 = arith.constant 0 : i32
      %dma_wait3A_174 = arith.constant 0 : i32
      %dma_wait3A_175 = tpu.memref_slice %arg5[%add3A, %dma_wait3A_173, %dma_wait3A_174] : memref<32x4x128xi32, #tpu.memory_space<hbm>> -> memref<1x4x128xi32, #tpu.memory_space<hbm>>
      %dma_wait3A_176 = tpu.memref_squeeze %dma_wait3A_175 : memref<1x4x128xi32, #tpu.memory_space<hbm>> -> memref<4x128xi32, #tpu.memory_space<hbm>>
      tpu.wait_dma2 semaphore(%run_scoped3A : memref<!tpu.dma_semaphore, #tpu.memory_space<semaphore_mem>>) src(%dma_wait3A_176 : memref<4x128xi32, #tpu.memory_space<hbm>>) dst(%arg8 : memref<4x128xi32, #tpu.memory_space<vmem>>)
      tpu.yield
    }) : () -> ()
    %dma_start3A_81 = arith.constant 0 : i32
    %dma_start3A_82 = arith.constant 0 : i32
    %dma_start3A_83 = arith.constant 0 : i32
    %dma_start3A_84 = tpu.memref_slice %arg9[%dma_start3A_82, %dma_start3A_83] : memref<512x128xf32, #tpu.memory_space<vmem>> -> memref<128x128xf32, #tpu.memory_space<vmem>>
    %dma_start3A_85 = arith.constant 0 : i32
    %dma_start3A_86 = tpu.memref_slice %arg8[%dma_start3A_81, %dma_start3A_85] : memref<4x128xi32, #tpu.memory_space<vmem>> -> memref<1x128xi32, #tpu.memory_space<vmem>>
    %dma_start3A_87 = tpu.memref_squeeze %dma_start3A_86 : memref<1x128xi32, #tpu.memory_space<vmem>> -> memref<128xi32, #tpu.memory_space<vmem>>
    %dma_start3A_88 = arith.constant 0 : i32
    %dma_start3A_89 = arith.constant 0 : i32
    %dma_start3A_90 = tpu.memref_slice %arg3[%dma_start3A_88, %dma_start3A_89] : memref<253952x128xf32, #tpu.memory_space<hbm>> -> memref<253952x128xf32, #tpu.memory_space<hbm>>
    tpu.enqueue_indirect_dma source(%dma_start3A_90 : memref<253952x128xf32, #tpu.memory_space<hbm>>) target(%dma_start3A_84 : memref<128x128xf32, #tpu.memory_space<vmem>>) offsets(%dma_start3A_87 : memref<128xi32, #tpu.memory_space<vmem>>) semaphore(%arg10 : memref<!tpu.dma_semaphore, #tpu.memory_space<semaphore_mem>>)
    %dma_start3A_91 = arith.constant 1 : i32
    %dma_start3A_92 = arith.constant 128 : i32
    %dma_start3A_93 = arith.constant 0 : i32
    %dma_start3A_94 = tpu.memref_slice %arg9[%dma_start3A_92, %dma_start3A_93] : memref<512x128xf32, #tpu.memory_space<vmem>> -> memref<128x128xf32, #tpu.memory_space<vmem>>
    %dma_start3A_95 = arith.constant 0 : i32
    %dma_start3A_96 = tpu.memref_slice %arg8[%dma_start3A_91, %dma_start3A_95] : memref<4x128xi32, #tpu.memory_space<vmem>> -> memref<1x128xi32, #tpu.memory_space<vmem>>
    %dma_start3A_97 = tpu.memref_squeeze %dma_start3A_96 : memref<1x128xi32, #tpu.memory_space<vmem>> -> memref<128xi32, #tpu.memory_space<vmem>>
    %dma_start3A_98 = arith.constant 0 : i32
    %dma_start3A_99 = arith.constant 0 : i32
    %dma_start3A_100 = tpu.memref_slice %arg3[%dma_start3A_98, %dma_start3A_99] : memref<253952x128xf32, #tpu.memory_space<hbm>> -> memref<253952x128xf32, #tpu.memory_space<hbm>>
    tpu.enqueue_indirect_dma source(%dma_start3A_100 : memref<253952x128xf32, #tpu.memory_space<hbm>>) target(%dma_start3A_94 : memref<128x128xf32, #tpu.memory_space<vmem>>) offsets(%dma_start3A_97 : memref<128xi32, #tpu.memory_space<vmem>>) semaphore(%arg10 : memref<!tpu.dma_semaphore, #tpu.memory_space<semaphore_mem>>)
    %dma_start3A_101 = arith.constant 2 : i32
    %dma_start3A_102 = arith.constant 256 : i32
    %dma_start3A_103 = arith.constant 0 : i32
    %dma_start3A_104 = tpu.memref_slice %arg9[%dma_start3A_102, %dma_start3A_103] : memref<512x128xf32, #tpu.memory_space<vmem>> -> memref<128x128xf32, #tpu.memory_space<vmem>>
    %dma_start3A_105 = arith.constant 0 : i32
    %dma_start3A_106 = tpu.memref_slice %arg8[%dma_start3A_101, %dma_start3A_105] : memref<4x128xi32, #tpu.memory_space<vmem>> -> memref<1x128xi32, #tpu.memory_space<vmem>>
    %dma_start3A_107 = tpu.memref_squeeze %dma_start3A_106 : memref<1x128xi32, #tpu.memory_space<vmem>> -> memref<128xi32, #tpu.memory_space<vmem>>
    %dma_start3A_108 = arith.constant 0 : i32
    %dma_start3A_109 = arith.constant 0 : i32
    %dma_start3A_110 = tpu.memref_slice %arg3[%dma_start3A_108, %dma_start3A_109] : memref<253952x128xf32, #tpu.memory_space<hbm>> -> memref<253952x128xf32, #tpu.memory_space<hbm>>
    tpu.enqueue_indirect_dma source(%dma_start3A_110 : memref<253952x128xf32, #tpu.memory_space<hbm>>) target(%dma_start3A_104 : memref<128x128xf32, #tpu.memory_space<vmem>>) offsets(%dma_start3A_107 : memref<128xi32, #tpu.memory_space<vmem>>) semaphore(%arg10 : memref<!tpu.dma_semaphore, #tpu.memory_space<semaphore_mem>>)
    %dma_start3A_111 = arith.constant 3 : i32
    %dma_start3A_112 = arith.constant 384 : i32
    %dma_start3A_113 = arith.constant 0 : i32
    %dma_start3A_114 = tpu.memref_slice %arg9[%dma_start3A_112, %dma_start3A_113] : memref<512x128xf32, #tpu.memory_space<vmem>> -> memref<128x128xf32, #tpu.memory_space<vmem>>
    %dma_start3A_115 = arith.constant 0 : i32
    %dma_start3A_116 = tpu.memref_slice %arg8[%dma_start3A_111, %dma_start3A_115] : memref<4x128xi32, #tpu.memory_space<vmem>> -> memref<1x128xi32, #tpu.memory_space<vmem>>
    %dma_start3A_117 = tpu.memref_squeeze %dma_start3A_116 : memref<1x128xi32, #tpu.memory_space<vmem>> -> memref<128xi32, #tpu.memory_space<vmem>>
    %dma_start3A_118 = arith.constant 0 : i32
    %dma_start3A_119 = arith.constant 0 : i32
    %dma_start3A_120 = tpu.memref_slice %arg3[%dma_start3A_118, %dma_start3A_119] : memref<253952x128xf32, #tpu.memory_space<hbm>> -> memref<253952x128xf32, #tpu.memory_space<hbm>>
    tpu.enqueue_indirect_dma source(%dma_start3A_120 : memref<253952x128xf32, #tpu.memory_space<hbm>>) target(%dma_start3A_114 : memref<128x128xf32, #tpu.memory_space<vmem>>) offsets(%dma_start3A_117 : memref<128xi32, #tpu.memory_space<vmem>>) semaphore(%arg10 : memref<!tpu.dma_semaphore, #tpu.memory_space<semaphore_mem>>)
    %dma_wait3A_121 = arith.constant 0 : i32
    %dma_wait3A_122 = arith.constant 0 : i32
    %dma_wait3A_123 = arith.constant 0 : i32
    %dma_wait3A_124 = tpu.memref_slice %arg9[%dma_wait3A_122, %dma_wait3A_123] : memref<512x128xf32, #tpu.memory_space<vmem>> -> memref<128x128xf32, #tpu.memory_space<vmem>>
    %dma_wait3A_125 = arith.constant 0 : i32
    %dma_wait3A_126 = tpu.memref_slice %arg8[%dma_wait3A_121, %dma_wait3A_125] : memref<4x128xi32, #tpu.memory_space<vmem>> -> memref<1x128xi32, #tpu.memory_space<vmem>>
    %dma_wait3A_127 = tpu.memref_squeeze %dma_wait3A_126 : memref<1x128xi32, #tpu.memory_space<vmem>> -> memref<128xi32, #tpu.memory_space<vmem>>
    %dma_wait3A_128 = arith.constant 0 : i32
    %dma_wait3A_129 = arith.constant 0 : i32
    %dma_wait3A_130 = tpu.memref_slice %arg3[%dma_wait3A_128, %dma_wait3A_129] : memref<253952x128xf32, #tpu.memory_space<hbm>> -> memref<253952x128xf32, #tpu.memory_space<hbm>>
    tpu.wait_indirect_dma semaphore(%arg10 : memref<!tpu.dma_semaphore, #tpu.memory_space<semaphore_mem>>) src(%dma_wait3A_130 : memref<253952x128xf32, #tpu.memory_space<hbm>>) dst(%dma_wait3A_124 : memref<128x128xf32, #tpu.memory_space<vmem>>)
    %dma_wait3A_131 = arith.constant 1 : i32
    %dma_wait3A_132 = arith.constant 128 : i32
    %dma_wait3A_133 = arith.constant 0 : i32
    %dma_wait3A_134 = tpu.memref_slice %arg9[%dma_wait3A_132, %dma_wait3A_133] : memref<512x128xf32, #tpu.memory_space<vmem>> -> memref<128x128xf32, #tpu.memory_space<vmem>>
    %dma_wait3A_135 = arith.constant 0 : i32
    %dma_wait3A_136 = tpu.memref_slice %arg8[%dma_wait3A_131, %dma_wait3A_135] : memref<4x128xi32, #tpu.memory_space<vmem>> -> memref<1x128xi32, #tpu.memory_space<vmem>>
    %dma_wait3A_137 = tpu.memref_squeeze %dma_wait3A_136 : memref<1x128xi32, #tpu.memory_space<vmem>> -> memref<128xi32, #tpu.memory_space<vmem>>
    %dma_wait3A_138 = arith.constant 0 : i32
    %dma_wait3A_139 = arith.constant 0 : i32
    %dma_wait3A_140 = tpu.memref_slice %arg3[%dma_wait3A_138, %dma_wait3A_139] : memref<253952x128xf32, #tpu.memory_space<hbm>> -> memref<253952x128xf32, #tpu.memory_space<hbm>>
    tpu.wait_indirect_dma semaphore(%arg10 : memref<!tpu.dma_semaphore, #tpu.memory_space<semaphore_mem>>) src(%dma_wait3A_140 : memref<253952x128xf32, #tpu.memory_space<hbm>>) dst(%dma_wait3A_134 : memref<128x128xf32, #tpu.memory_space<vmem>>)
    %dma_wait3A_141 = arith.constant 2 : i32
    %dma_wait3A_142 = arith.constant 256 : i32
    %dma_wait3A_143 = arith.constant 0 : i32
    %dma_wait3A_144 = tpu.memref_slice %arg9[%dma_wait3A_142, %dma_wait3A_143] : memref<512x128xf32, #tpu.memory_space<vmem>> -> memref<128x128xf32, #tpu.memory_space<vmem>>
    %dma_wait3A_145 = arith.constant 0 : i32
    %dma_wait3A_146 = tpu.memref_slice %arg8[%dma_wait3A_141, %dma_wait3A_145] : memref<4x128xi32, #tpu.memory_space<vmem>> -> memref<1x128xi32, #tpu.memory_space<vmem>>
    %dma_wait3A_147 = tpu.memref_squeeze %dma_wait3A_146 : memref<1x128xi32, #tpu.memory_space<vmem>> -> memref<128xi32, #tpu.memory_space<vmem>>
    %dma_wait3A_148 = arith.constant 0 : i32
    %dma_wait3A_149 = arith.constant 0 : i32
    %dma_wait3A_150 = tpu.memref_slice %arg3[%dma_wait3A_148, %dma_wait3A_149] : memref<253952x128xf32, #tpu.memory_space<hbm>> -> memref<253952x128xf32, #tpu.memory_space<hbm>>
    tpu.wait_indirect_dma semaphore(%arg10 : memref<!tpu.dma_semaphore, #tpu.memory_space<semaphore_mem>>) src(%dma_wait3A_150 : memref<253952x128xf32, #tpu.memory_space<hbm>>) dst(%dma_wait3A_144 : memref<128x128xf32, #tpu.memory_space<vmem>>)
    %dma_wait3A_151 = arith.constant 3 : i32
    %dma_wait3A_152 = arith.constant 384 : i32
    %dma_wait3A_153 = arith.constant 0 : i32
    %dma_wait3A_154 = tpu.memref_slice %arg9[%dma_wait3A_152, %dma_wait3A_153] : memref<512x128xf32, #tpu.memory_space<vmem>> -> memref<128x128xf32, #tpu.memory_space<vmem>>
    %dma_wait3A_155 = arith.constant 0 : i32
    %dma_wait3A_156 = tpu.memref_slice %arg8[%dma_wait3A_151, %dma_wait3A_155] : memref<4x128xi32, #tpu.memory_space<vmem>> -> memref<1x128xi32, #tpu.memory_space<vmem>>
    %dma_wait3A_157 = tpu.memref_squeeze %dma_wait3A_156 : memref<1x128xi32, #tpu.memory_space<vmem>> -> memref<128xi32, #tpu.memory_space<vmem>>
    %dma_wait3A_158 = arith.constant 0 : i32
    %dma_wait3A_159 = arith.constant 0 : i32
    %dma_wait3A_160 = tpu.memref_slice %arg3[%dma_wait3A_158, %dma_wait3A_159] : memref<253952x128xf32, #tpu.memory_space<hbm>> -> memref<253952x128xf32, #tpu.memory_space<hbm>>
    tpu.wait_indirect_dma semaphore(%arg10 : memref<!tpu.dma_semaphore, #tpu.memory_space<semaphore_mem>>) src(%dma_wait3A_160 : memref<253952x128xf32, #tpu.memory_space<hbm>>) dst(%dma_wait3A_154 : memref<128x128xf32, #tpu.memory_space<vmem>>)
    "tpu.region"() ({
      %run_scoped3A = tpu.sem_alloc : memref<!tpu.dma_semaphore, #tpu.memory_space<semaphore_mem>>
      %dma_start3A_161 = arith.constant 0 : i32
      %dma_start3A_162 = tpu.memref_slice %arg7[%mul3A_2, %dma_start3A_161] : memref<16384x128xf32, #tpu.memory_space<hbm>> -> memref<512x128xf32, #tpu.memory_space<hbm>>
      %dma_start3A_163 = arith.constant 0 : i32
      %dma_start3A_164 = tpu.memref_slice %arg7[%mul3A_2, %dma_start3A_163] : memref<16384x128xf32, #tpu.memory_space<hbm>> -> memref<512x128xf32, #tpu.memory_space<hbm>>
      tpu.enqueue_dma source(%arg9 : memref<512x128xf32, #tpu.memory_space<vmem>>) target(%dma_start3A_164 : memref<512x128xf32, #tpu.memory_space<hbm>>) target_semaphore(%run_scoped3A : memref<!tpu.dma_semaphore, #tpu.memory_space<semaphore_mem>>)
      %dma_wait3A_165 = arith.constant 0 : i32
      %dma_wait3A_166 = tpu.memref_slice %arg7[%mul3A_2, %dma_wait3A_165] : memref<16384x128xf32, #tpu.memory_space<hbm>> -> memref<512x128xf32, #tpu.memory_space<hbm>>
      %dma_wait3A_167 = arith.constant 0 : i32
      %dma_wait3A_168 = tpu.memref_slice %arg7[%mul3A_2, %dma_wait3A_167] : memref<16384x128xf32, #tpu.memory_space<hbm>> -> memref<512x128xf32, #tpu.memory_space<hbm>>
      tpu.wait_dma2 semaphore(%run_scoped3A : memref<!tpu.dma_semaphore, #tpu.memory_space<semaphore_mem>>) src(%arg9 : memref<512x128xf32, #tpu.memory_space<vmem>>) dst(%dma_wait3A_168 : memref<512x128xf32, #tpu.memory_space<hbm>>)
      tpu.yield
    }) : () -> ()
    return
  }
}

module attributes {stable_mosaic.version = 14 : i64} {
  func.func @_tc_transpose_body(%arg0: i32, %arg1: memref<64x32768xf32, #tpu.memory_space<vmem>>, %arg2: memref<64x32768xf32, #tpu.memory_space<vmem>>, %arg3: memref<8192x128xf32, #tpu.memory_space<vmem>>, %arg4: memref<8192x128xf32, #tpu.memory_space<vmem>>) attributes {dimension_semantics = [#tpu.dimension_semantics<arbitrary>], iteration_bounds = array<i64: 31>, scalar_prefetch = 0 : i64, scratch_operands = 0 : i64, tpu.core_type = #tpu.core_type<tc>, window_params = [{transform_indices = @transform_0, window_bounds = array<i64: 64, 32768>}, {transform_indices = @transform_1, window_bounds = array<i64: 64, 32768>}, {transform_indices = @transform_2, window_bounds = array<i64: 8192, 128>}, {transform_indices = @transform_3, window_bounds = array<i64: 8192, 128>}]} {
    %get3A = arith.constant 0 : index
    %get3A_0 = arith.constant 0 : index
    %get3A_1 = vector.load %arg1[%get3A, %get3A_0] : memref<64x32768xf32, #tpu.memory_space<vmem>>, vector<64x32768xf32>
    %convert_element_type3A = arith.truncf %get3A_1 : vector<64x32768xf32> to vector<64x32768xbf16>
    %slice3A = vector.extract_strided_slice %convert_element_type3A {offsets = [0, 0], sizes = [64, 8192], strides = [1, 1]} : vector<64x32768xbf16> to vector<64x8192xbf16>
    %transpose3A = tpu.transpose %slice3A, [1, 0] : vector<64x8192xbf16> -> vector<8192x64xbf16>
    %slice3A_2 = vector.extract_strided_slice %convert_element_type3A {offsets = [0, 8192], sizes = [64, 8192], strides = [1, 1]} : vector<64x32768xbf16> to vector<64x8192xbf16>
    %transpose3A_3 = tpu.transpose %slice3A_2, [1, 0] : vector<64x8192xbf16> -> vector<8192x64xbf16>
    %slice3A_4 = vector.extract_strided_slice %convert_element_type3A {offsets = [0, 16384], sizes = [64, 8192], strides = [1, 1]} : vector<64x32768xbf16> to vector<64x8192xbf16>
    %transpose3A_5 = tpu.transpose %slice3A_4, [1, 0] : vector<64x8192xbf16> -> vector<8192x64xbf16>
    %slice3A_6 = vector.extract_strided_slice %convert_element_type3A {offsets = [0, 24576], sizes = [64, 8192], strides = [1, 1]} : vector<64x32768xbf16> to vector<64x8192xbf16>
    %transpose3A_7 = tpu.transpose %slice3A_6, [1, 0] : vector<64x8192xbf16> -> vector<8192x64xbf16>
    %bitcast_convert_type3A = tpu.bitcast %transpose3A : vector<8192x64xbf16> -> vector<8192x64xi16>
    %convert_element_type3A_8 = arith.extui %bitcast_convert_type3A : vector<8192x64xi16> to vector<8192x64xi32>
    %bitcast_convert_type3A_9 = tpu.bitcast %transpose3A_3 : vector<8192x64xbf16> -> vector<8192x64xi16>
    %convert_element_type3A_10 = arith.extui %bitcast_convert_type3A_9 : vector<8192x64xi16> to vector<8192x64xi32>
    %shift_left3A = arith.constant 16 : i32
    %shift_left3A_11 = vector.broadcast %shift_left3A : i32 to vector<8192x64xi32>
    %shift_left3A_12 = arith.shli %convert_element_type3A_10, %shift_left3A_11 : vector<8192x64xi32>
    %or3A = arith.ori %shift_left3A_12, %convert_element_type3A_8 : vector<8192x64xi32>
    %bitcast_convert_type3A_13 = tpu.bitcast %or3A : vector<8192x64xi32> -> vector<8192x64xf32>
    %bitcast_convert_type3A_14 = tpu.bitcast %transpose3A_5 : vector<8192x64xbf16> -> vector<8192x64xi16>
    %convert_element_type3A_15 = arith.extui %bitcast_convert_type3A_14 : vector<8192x64xi16> to vector<8192x64xi32>
    %bitcast_convert_type3A_16 = tpu.bitcast %transpose3A_7 : vector<8192x64xbf16> -> vector<8192x64xi16>
    %convert_element_type3A_17 = arith.extui %bitcast_convert_type3A_16 : vector<8192x64xi16> to vector<8192x64xi32>
    %shift_left3A_18 = arith.constant 16 : i32
    %shift_left3A_19 = vector.broadcast %shift_left3A_18 : i32 to vector<8192x64xi32>
    %shift_left3A_20 = arith.shli %convert_element_type3A_17, %shift_left3A_19 : vector<8192x64xi32>
    %or3A_21 = arith.ori %shift_left3A_20, %convert_element_type3A_15 : vector<8192x64xi32>
    %bitcast_convert_type3A_22 = tpu.bitcast %or3A_21 : vector<8192x64xi32> -> vector<8192x64xf32>
    %concatenate3A = tpu.concatenate %bitcast_convert_type3A_13, %bitcast_convert_type3A_22 in 1 : vector<8192x64xf32>, vector<8192x64xf32> -> vector<8192x128xf32>
    %swap3A = arith.constant 0 : index
    %swap3A_23 = arith.constant 0 : index
    %swap3A_24 = vector.load %arg3[%swap3A, %swap3A_23] : memref<8192x128xf32, #tpu.memory_space<vmem>>, vector<8192x128xf32>
    tpu.vector_store %arg3[%swap3A, %swap3A_23], %concatenate3A {strides = array<i32>} : memref<8192x128xf32, #tpu.memory_space<vmem>>, vector<8192x128xf32>,
    %get3A_25 = arith.constant 0 : index
    %get3A_26 = arith.constant 0 : index
    %get3A_27 = vector.load %arg2[%get3A_25, %get3A_26] : memref<64x32768xf32, #tpu.memory_space<vmem>>, vector<64x32768xf32>
    %convert_element_type3A_28 = arith.truncf %get3A_27 : vector<64x32768xf32> to vector<64x32768xbf16>
    %slice3A_29 = vector.extract_strided_slice %convert_element_type3A_28 {offsets = [0, 0], sizes = [64, 8192], strides = [1, 1]} : vector<64x32768xbf16> to vector<64x8192xbf16>
    %transpose3A_30 = tpu.transpose %slice3A_29, [1, 0] : vector<64x8192xbf16> -> vector<8192x64xbf16>
    %slice3A_31 = vector.extract_strided_slice %convert_element_type3A_28 {offsets = [0, 8192], sizes = [64, 8192], strides = [1, 1]} : vector<64x32768xbf16> to vector<64x8192xbf16>
    %transpose3A_32 = tpu.transpose %slice3A_31, [1, 0] : vector<64x8192xbf16> -> vector<8192x64xbf16>
    %slice3A_33 = vector.extract_strided_slice %convert_element_type3A_28 {offsets = [0, 16384], sizes = [64, 8192], strides = [1, 1]} : vector<64x32768xbf16> to vector<64x8192xbf16>
    %transpose3A_34 = tpu.transpose %slice3A_33, [1, 0] : vector<64x8192xbf16> -> vector<8192x64xbf16>
    %slice3A_35 = vector.extract_strided_slice %convert_element_type3A_28 {offsets = [0, 24576], sizes = [64, 8192], strides = [1, 1]} : vector<64x32768xbf16> to vector<64x8192xbf16>
    %transpose3A_36 = tpu.transpose %slice3A_35, [1, 0] : vector<64x8192xbf16> -> vector<8192x64xbf16>
    %bitcast_convert_type3A_37 = tpu.bitcast %transpose3A_30 : vector<8192x64xbf16> -> vector<8192x64xi16>
    %convert_element_type3A_38 = arith.extui %bitcast_convert_type3A_37 : vector<8192x64xi16> to vector<8192x64xi32>
    %bitcast_convert_type3A_39 = tpu.bitcast %transpose3A_32 : vector<8192x64xbf16> -> vector<8192x64xi16>
    %convert_element_type3A_40 = arith.extui %bitcast_convert_type3A_39 : vector<8192x64xi16> to vector<8192x64xi32>
    %shift_left3A_41 = arith.constant 16 : i32
    %shift_left3A_42 = vector.broadcast %shift_left3A_41 : i32 to vector<8192x64xi32>
    %shift_left3A_43 = arith.shli %convert_element_type3A_40, %shift_left3A_42 : vector<8192x64xi32>
    %or3A_44 = arith.ori %shift_left3A_43, %convert_element_type3A_38 : vector<8192x64xi32>
    %bitcast_convert_type3A_45 = tpu.bitcast %or3A_44 : vector<8192x64xi32> -> vector<8192x64xf32>
    %bitcast_convert_type3A_46 = tpu.bitcast %transpose3A_34 : vector<8192x64xbf16> -> vector<8192x64xi16>
    %convert_element_type3A_47 = arith.extui %bitcast_convert_type3A_46 : vector<8192x64xi16> to vector<8192x64xi32>
    %bitcast_convert_type3A_48 = tpu.bitcast %transpose3A_36 : vector<8192x64xbf16> -> vector<8192x64xi16>
    %convert_element_type3A_49 = arith.extui %bitcast_convert_type3A_48 : vector<8192x64xi16> to vector<8192x64xi32>
    %shift_left3A_50 = arith.constant 16 : i32
    %shift_left3A_51 = vector.broadcast %shift_left3A_50 : i32 to vector<8192x64xi32>
    %shift_left3A_52 = arith.shli %convert_element_type3A_49, %shift_left3A_51 : vector<8192x64xi32>
    %or3A_53 = arith.ori %shift_left3A_52, %convert_element_type3A_47 : vector<8192x64xi32>
    %bitcast_convert_type3A_54 = tpu.bitcast %or3A_53 : vector<8192x64xi32> -> vector<8192x64xf32>
    %concatenate3A_55 = tpu.concatenate %bitcast_convert_type3A_45, %bitcast_convert_type3A_54 in 1 : vector<8192x64xf32>, vector<8192x64xf32> -> vector<8192x128xf32>
    %swap3A_56 = arith.constant 0 : index
    %swap3A_57 = arith.constant 0 : index
    %swap3A_58 = vector.load %arg4[%swap3A_56, %swap3A_57] : memref<8192x128xf32, #tpu.memory_space<vmem>>, vector<8192x128xf32>
    tpu.vector_store %arg4[%swap3A_56, %swap3A_57], %concatenate3A_55 {strides = array<i32>} : memref<8192x128xf32, #tpu.memory_space<vmem>>, vector<8192x128xf32>,
    return
  }
  func.func @transform_0(%arg0: i32) -> (i32, i32) {
    %c0_i32 = arith.constant 0 : i32
    %c0_i32_0 = arith.constant 0 : i32
    return %c0_i32, %arg0 : i32, i32
  }
  func.func @transform_1(%arg0: i32) -> (i32, i32) {
    %c0_i32 = arith.constant 0 : i32
    %c0_i32_0 = arith.constant 0 : i32
    return %c0_i32, %arg0 : i32, i32
  }
  func.func @transform_2(%arg0: i32) -> (i32, i32) {
    %c0_i32 = arith.constant 0 : i32
    %c0_i32_0 = arith.constant 0 : i32
    return %arg0, %c0_i32 : i32, i32
  }
  func.func @transform_3(%arg0: i32) -> (i32, i32) {
    %c0_i32 = arith.constant 0 : i32
    %c0_i32_0 = arith.constant 0 : i32
    return %arg0, %c0_i32 : i32, i32
  }
}

module attributes {stable_mosaic.version = 14 : i64} {
  func.func @_tc_combine_body(%arg0: i32, %arg1: memref<2048x128xf32, #tpu.memory_space<vmem>>, %arg2: memref<2048x128xf32, #tpu.memory_space<vmem>>, %arg3: memref<2048x1xi32, #tpu.memory_space<vmem>>, %arg4: memref<2048x1xi32, #tpu.memory_space<vmem>>, %arg5: memref<26x2048xf32, #tpu.memory_space<vmem>>, %arg6: memref<26x2048xf32, #tpu.memory_space<vmem>>, %arg7: memref<26x64xf32, #tpu.memory_space<vmem>>, %arg8: memref<1x64xf32, #tpu.memory_space<vmem>>, %arg9: memref<26x64xf32, #tpu.memory_space<vmem>>, %arg10: memref<1x64xf32, #tpu.memory_space<vmem>>, %arg11: memref<2048x1xf32, #tpu.memory_space<vmem>>) attributes {dimension_semantics = [#tpu.dimension_semantics<arbitrary>], iteration_bounds = array<i64: 8>, scalar_prefetch = 0 : i64, scratch_operands = 0 : i64, tpu.core_type = #tpu.core_type<tc>, window_params = [{transform_indices = @transform_0, window_bounds = array<i64: 2048, 128>}, {transform_indices = @transform_1, window_bounds = array<i64: 2048, 128>}, {transform_indices = @transform_2, window_bounds = array<i64: 2048, 1>}, {transform_indices = @transform_3, window_bounds = array<i64: 2048, 1>}, {transform_indices = @transform_4, window_bounds = array<i64: 26, 2048>}, {transform_indices = @transform_5, window_bounds = array<i64: 26, 2048>}, {pipeline_mode = #tpu.pipeline_mode<synchronous>, transform_indices = @transform_6, window_bounds = array<i64: 26, 64>}, {pipeline_mode = #tpu.pipeline_mode<synchronous>, transform_indices = @transform_7, window_bounds = array<i64: 1, 64>}, {pipeline_mode = #tpu.pipeline_mode<synchronous>, transform_indices = @transform_8, window_bounds = array<i64: 26, 64>}, {pipeline_mode = #tpu.pipeline_mode<synchronous>, transform_indices = @transform_9, window_bounds = array<i64: 1, 64>}, {transform_indices = @transform_10, window_bounds = array<i64: 2048, 1>}]} {
    %get3A = arith.constant 0 : index
    %get3A_0 = arith.constant 0 : index
    %get3A_1 = vector.load %arg5[%get3A, %get3A_0] : memref<26x2048xf32, #tpu.memory_space<vmem>>, vector<26x2048xf32>
    %get3A_2 = arith.constant 0 : index
    %get3A_3 = arith.constant 0 : index
    %get3A_4 = vector.load %arg7[%get3A_2, %get3A_3] : memref<26x64xf32, #tpu.memory_space<vmem>>, vector<26x64xf32>
    %dot_general3A = arith.constant dense<0.000000e+00> : vector<2048x64xf32>
    %dot_general3A_5 = tpu.matmul %get3A_1, %get3A_4, %dot_general3A {dimension_numbers = #tpu.dot_dimension_numbers<[0], [0], [1], [1], [0, 1, 1, 1], [], []>, transpose_lhs_hint = false} : vector<26x2048xf32>, vector<26x64xf32>, vector<2048x64xf32> -> vector<2048x64xf32>
    %get3A_6 = arith.constant 0 : index
    %get3A_7 = arith.constant 0 : index
    %get3A_8 = vector.load %arg8[%get3A_6, %get3A_7] : memref<1x64xf32, #tpu.memory_space<vmem>>, vector<1x64xf32>
    %add3A = vector.broadcast %get3A_8 : vector<1x64xf32> to vector<2048x64xf32>
    %add3A_9 = arith.addf %dot_general3A_5, %add3A : vector<2048x64xf32>
    %get3A_10 = arith.constant 0 : index
    %get3A_11 = arith.constant 0 : index
    %get3A_12 = vector.load %arg6[%get3A_10, %get3A_11] : memref<26x2048xf32, #tpu.memory_space<vmem>>, vector<26x2048xf32>
    %get3A_13 = arith.constant 0 : index
    %get3A_14 = arith.constant 0 : index
    %get3A_15 = vector.load %arg9[%get3A_13, %get3A_14] : memref<26x64xf32, #tpu.memory_space<vmem>>, vector<26x64xf32>
    %dot_general3A_16 = arith.constant dense<0.000000e+00> : vector<2048x64xf32>
    %dot_general3A_17 = tpu.matmul %get3A_12, %get3A_15, %dot_general3A_16 {dimension_numbers = #tpu.dot_dimension_numbers<[0], [0], [1], [1], [0, 1, 1, 1], [], []>, transpose_lhs_hint = false} : vector<26x2048xf32>, vector<26x64xf32>, vector<2048x64xf32> -> vector<2048x64xf32>
    %get3A_18 = arith.constant 0 : index
    %get3A_19 = arith.constant 0 : index
    %get3A_20 = vector.load %arg10[%get3A_18, %get3A_19] : memref<1x64xf32, #tpu.memory_space<vmem>>, vector<1x64xf32>
    %add3A_21 = vector.broadcast %get3A_20 : vector<1x64xf32> to vector<2048x64xf32>
    %add3A_22 = arith.addf %dot_general3A_17, %add3A_21 : vector<2048x64xf32>
    %get3A_23 = arith.constant 0 : index
    %get3A_24 = arith.constant 0 : index
    %get3A_25 = vector.load %arg3[%get3A_23, %get3A_24] : memref<2048x1xi32, #tpu.memory_space<vmem>>, vector<2048x1xi32>
    %get3A_26 = arith.constant 0 : index
    %get3A_27 = arith.constant 0 : index
    %get3A_28 = vector.load %arg1[%get3A_26, %get3A_27] : memref<2048x128xf32, #tpu.memory_space<vmem>>, vector<2048x128xf32>
    %bitcast_convert_type3A = tpu.bitcast %get3A_28 : vector<2048x128xf32> -> vector<2048x128xi32>
    %ge3A = arith.constant 2 : i32
    %ge3A_29 = vector.broadcast %ge3A : i32 to vector<2048x1xi32>
    %ge3A_30 = arith.cmpi sge, %get3A_25, %ge3A_29 : vector<2048x1xi32>
    %slice3A = vector.extract_strided_slice %bitcast_convert_type3A {offsets = [0, 64], sizes = [2048, 64], strides = [1, 1]} : vector<2048x128xi32> to vector<2048x64xi32>
    %slice3A_31 = vector.extract_strided_slice %bitcast_convert_type3A {offsets = [0, 0], sizes = [2048, 64], strides = [1, 1]} : vector<2048x128xi32> to vector<2048x64xi32>
    %broadcast_in_dim3A = vector.shape_cast %ge3A_30 : vector<2048x1xi1> to vector<2048x1xi1>
    %broadcast_in_dim3A_32 = vector.broadcast %broadcast_in_dim3A : vector<2048x1xi1> to vector<2048x64xi1>
    %select_n3A = arith.select %broadcast_in_dim3A_32, %slice3A, %slice3A_31 : vector<2048x64xi1>, vector<2048x64xi32>
    %and3A = arith.constant 1 : i32
    %and3A_33 = vector.broadcast %and3A : i32 to vector<2048x1xi32>
    %and3A_34 = arith.andi %get3A_25, %and3A_33 : vector<2048x1xi32>
    %eq3A = arith.constant 1 : i32
    %eq3A_35 = vector.broadcast %eq3A : i32 to vector<2048x1xi32>
    %eq3A_36 = arith.cmpi eq, %and3A_34, %eq3A_35 : vector<2048x1xi32>
    %and3A_37 = arith.constant -65536 : i32
    %and3A_38 = vector.broadcast %and3A_37 : i32 to vector<2048x64xi32>
    %and3A_39 = arith.andi %select_n3A, %and3A_38 : vector<2048x64xi32>
    %shift_left3A = arith.constant 16 : i32
    %shift_left3A_40 = vector.broadcast %shift_left3A : i32 to vector<2048x64xi32>
    %shift_left3A_41 = arith.shli %select_n3A, %shift_left3A_40 : vector<2048x64xi32>
    %broadcast_in_dim3A_42 = vector.shape_cast %eq3A_36 : vector<2048x1xi1> to vector<2048x1xi1>
    %broadcast_in_dim3A_43 = vector.broadcast %broadcast_in_dim3A_42 : vector<2048x1xi1> to vector<2048x64xi1>
    %select_n3A_44 = arith.select %broadcast_in_dim3A_43, %and3A_39, %shift_left3A_41 : vector<2048x64xi1>, vector<2048x64xi32>
    %bitcast_convert_type3A_45 = tpu.bitcast %select_n3A_44 : vector<2048x64xi32> -> vector<2048x64xf32>
    %get3A_46 = arith.constant 0 : index
    %get3A_47 = arith.constant 0 : index
    %get3A_48 = vector.load %arg4[%get3A_46, %get3A_47] : memref<2048x1xi32, #tpu.memory_space<vmem>>, vector<2048x1xi32>
    %get3A_49 = arith.constant 0 : index
    %get3A_50 = arith.constant 0 : index
    %get3A_51 = vector.load %arg2[%get3A_49, %get3A_50] : memref<2048x128xf32, #tpu.memory_space<vmem>>, vector<2048x128xf32>
    %bitcast_convert_type3A_52 = tpu.bitcast %get3A_51 : vector<2048x128xf32> -> vector<2048x128xi32>
    %ge3A_53 = arith.constant 2 : i32
    %ge3A_54 = vector.broadcast %ge3A_53 : i32 to vector<2048x1xi32>
    %ge3A_55 = arith.cmpi sge, %get3A_48, %ge3A_54 : vector<2048x1xi32>
    %slice3A_56 = vector.extract_strided_slice %bitcast_convert_type3A_52 {offsets = [0, 64], sizes = [2048, 64], strides = [1, 1]} : vector<2048x128xi32> to vector<2048x64xi32>
    %slice3A_57 = vector.extract_strided_slice %bitcast_convert_type3A_52 {offsets = [0, 0], sizes = [2048, 64], strides = [1, 1]} : vector<2048x128xi32> to vector<2048x64xi32>
    %broadcast_in_dim3A_58 = vector.shape_cast %ge3A_55 : vector<2048x1xi1> to vector<2048x1xi1>
    %broadcast_in_dim3A_59 = vector.broadcast %broadcast_in_dim3A_58 : vector<2048x1xi1> to vector<2048x64xi1>
    %select_n3A_60 = arith.select %broadcast_in_dim3A_59, %slice3A_56, %slice3A_57 : vector<2048x64xi1>, vector<2048x64xi32>
    %and3A_61 = arith.constant 1 : i32
    %and3A_62 = vector.broadcast %and3A_61 : i32 to vector<2048x1xi32>
    %and3A_63 = arith.andi %get3A_48, %and3A_62 : vector<2048x1xi32>
    %eq3A_64 = arith.constant 1 : i32
    %eq3A_65 = vector.broadcast %eq3A_64 : i32 to vector<2048x1xi32>
    %eq3A_66 = arith.cmpi eq, %and3A_63, %eq3A_65 : vector<2048x1xi32>
    %and3A_67 = arith.constant -65536 : i32
    %and3A_68 = vector.broadcast %and3A_67 : i32 to vector<2048x64xi32>
    %and3A_69 = arith.andi %select_n3A_60, %and3A_68 : vector<2048x64xi32>
    %shift_left3A_70 = arith.constant 16 : i32
    %shift_left3A_71 = vector.broadcast %shift_left3A_70 : i32 to vector<2048x64xi32>
    %shift_left3A_72 = arith.shli %select_n3A_60, %shift_left3A_71 : vector<2048x64xi32>
    %broadcast_in_dim3A_73 = vector.shape_cast %eq3A_66 : vector<2048x1xi1> to vector<2048x1xi1>
    %broadcast_in_dim3A_74 = vector.broadcast %broadcast_in_dim3A_73 : vector<2048x1xi1> to vector<2048x64xi1>
    %select_n3A_75 = arith.select %broadcast_in_dim3A_74, %and3A_69, %shift_left3A_72 : vector<2048x64xi1>, vector<2048x64xi32>
    %bitcast_convert_type3A_76 = tpu.bitcast %select_n3A_75 : vector<2048x64xi32> -> vector<2048x64xf32>
    %add3A_77 = arith.addf %bitcast_convert_type3A_45, %add3A_9 : vector<2048x64xf32>
    %add3A_78 = arith.addf %bitcast_convert_type3A_76, %add3A_22 : vector<2048x64xf32>
    %mul3A = arith.mulf %add3A_77, %add3A_78 : vector<2048x64xf32>
    %reduce_sum3A = arith.constant dense<0.000000e+00> : vector<2048xf32>
    %reduce_sum3A_79 = vector.multi_reduction <add>, %mul3A, %reduce_sum3A [1] : vector<2048x64xf32> to vector<2048xf32>
    %broadcast_in_dim3A_80 = vector.shape_cast %reduce_sum3A_79 : vector<2048xf32> to vector<2048x1xf32>
    %swap3A = arith.constant 0 : index
    %swap3A_81 = arith.constant 0 : index
    %swap3A_82 = vector.load %arg11[%swap3A, %swap3A_81] : memref<2048x1xf32, #tpu.memory_space<vmem>>, vector<2048x1xf32>
    tpu.vector_store %arg11[%swap3A, %swap3A_81], %broadcast_in_dim3A_80 {strides = array<i32>} : memref<2048x1xf32, #tpu.memory_space<vmem>>, vector<2048x1xf32>,
    return
  }
  func.func @transform_0(%arg0: i32) -> (i32, i32) {
    %c0_i32 = arith.constant 0 : i32
    %c0_i32_0 = arith.constant 0 : i32
    return %arg0, %c0_i32 : i32, i32
  }
  func.func @transform_1(%arg0: i32) -> (i32, i32) {
    %c0_i32 = arith.constant 0 : i32
    %c0_i32_0 = arith.constant 0 : i32
    return %arg0, %c0_i32 : i32, i32
  }
  func.func @transform_2(%arg0: i32) -> (i32, i32) {
    %c0_i32 = arith.constant 0 : i32
    %c0_i32_0 = arith.constant 0 : i32
    return %arg0, %c0_i32 : i32, i32
  }
  func.func @transform_3(%arg0: i32) -> (i32, i32) {
    %c0_i32 = arith.constant 0 : i32
    %c0_i32_0 = arith.constant 0 : i32
    return %arg0, %c0_i32 : i32, i32
  }
  func.func @transform_4(%arg0: i32) -> (i32, i32) {
    %c0_i32 = arith.constant 0 : i32
    %c0_i32_0 = arith.constant 0 : i32
    return %c0_i32, %arg0 : i32, i32
  }
  func.func @transform_5(%arg0: i32) -> (i32, i32) {
    %c0_i32 = arith.constant 0 : i32
    %c0_i32_0 = arith.constant 0 : i32
    return %c0_i32, %arg0 : i32, i32
  }
  func.func @transform_6(%arg0: i32) -> (i32, i32) {
    %c0_i32 = arith.constant 0 : i32
    %c0_i32_0 = arith.constant 0 : i32
    %c0_i32_1 = arith.constant 0 : i32
    return %c0_i32, %c0_i32_0 : i32, i32
  }
  func.func @transform_7(%arg0: i32) -> (i32, i32) {
    %c0_i32 = arith.constant 0 : i32
    %c0_i32_0 = arith.constant 0 : i32
    %c0_i32_1 = arith.constant 0 : i32
    return %c0_i32, %c0_i32_0 : i32, i32
  }
  func.func @transform_8(%arg0: i32) -> (i32, i32) {
    %c0_i32 = arith.constant 0 : i32
    %c0_i32_0 = arith.constant 0 : i32
    %c0_i32_1 = arith.constant 0 : i32
    return %c0_i32, %c0_i32_0 : i32, i32
  }
  func.func @transform_9(%arg0: i32) -> (i32, i32) {
    %c0_i32 = arith.constant 0 : i32
    %c0_i32_0 = arith.constant 0 : i32
    %c0_i32_1 = arith.constant 0 : i32
    return %c0_i32, %c0_i32_0 : i32, i32
  }
  func.func @transform_10(%arg0: i32) -> (i32, i32) {
    %c0_i32 = arith.constant 0 : i32
    %c0_i32_0 = arith.constant 0 : i32
    return %arg0, %c0_i32 : i32, i32
  }
}

</mosaic_0001>

<sc_bundles>
// kernel: kernel.5.cloned.1.call-start
scs
__scs_entry_jumppad:
0x0: {  	(pc) =	sbr.rel $0x88, $3  }
0x1: {  	(tag) =	ssettag $0x0;
	lr =	simm.s32 $0x1  }
0x2: {  	[smem:$0x3F97] =	sst lr;
	_ =	strace $0xD0000000  }
0x3: {  	_ = 	snop  }
0x4: {  	_ = 	snop  }
0x5: {  	_ = 	snop  }
0x6: {  	_ = 	snop  }
0x7: {  	_ = 	snop  }
__scs_overlays_trampoline_lowered:
0x8: {  	[smem:$0x3FA6] =	sst s0  }
0x9: {  	[smem:$0x3FA7] =	sst s1  }
0xa: {  	[smem:$0x3FA8] =	sst s2  }
0xb: {  	[smem:$0x3FA9] =	sst s3  }
0xc: {  	[smem:$0x3FAA] =	sst s4  }
0xd: {  	[smem:$0x3FAB] =	sst s5  }
0xe: {  	[smem:$0x3FAC] =	sst s6  }
0xf: {  	[smem:$0x3FAD] =	sst s7  }
0x10: {  	[smem:$0x3FAE] =	sst s8  }
0x11: {  	[smem:$0x3FAF] =	sst s9;
	s0 =	simm.s32 @!p0 $0x0  }
0x12: {  	s1 =	sld [smem:$0x3F95];
	s0 =	simm.s32 @p0 $0x1  }
0x13: {  	[smem:$0x3FB0] =	sst s0;
	s0 =	simm.s32 @!p1 $0x0  }
0x14: {  	s2 =	sld [smem:$0x3F94];
	s0 =	simm.s32 @p1 $0x1  }
0x15: {  	[smem:$0x3FB1] =	sst s0;
	s0 =	simm.s32 @!p2 $0x0  }
0x16: {  	s3 =	sld [smem:$0x3FDB];
	s0 =	simm.s32 @p2 $0x1  }
0x17: {  	s4 =	simm.s32 $0x1BF5;
	[smem:$0x3FB3] =	sst s0  }
0x18: {  	s0 =	sld [smem:$0x3F96];
	_ =	swait.ge [sflag:s4], $0x0  }
0x19: {  	s7 =	sld [smem:$0x3F97]  }
0x1a: {  	s8 =	sadd.s32 $0xFFFFE003, lr  }
0x1b: {  	s9 =	sadd.s32 $0xFFFFFEF7, lr;
	s5 =	simm.s32 $0xFFFFFFFF;
	p2 =	slt.u32 s8, $0xFFFFF086  }
0x1c: {  	p1 =	slt.u32 s9, $0xF7A;
	s5 =	simm.s32 @!p2 $0x0  }
0x1d: {  	s5 =	simm.s32 @p1 $0x1;
	p0 =	seq.s32 s7, s2  }
0x1e: {  	s7 =	smul.u32 @!p0 $0xF7A, s2;
	p2 =	seq.s32 @!p0 s5, $0x0  }
0x1f: {  	s9 =	smul.u32 $0xF7A, s1;
	s8 =	simm.s32 @!p0 $0x1BF5;
	p2 =	por !p2, p0  }
0x20: {  	[sflag:s8] =	ssyncset.s32 @!p0 $0xFFFFF086;
	s6 =	sadd.s32 @!p0 s3, s7;
	s7 =	simm.s32 @!p0 $0x108  }
0x21: {  	s3 =	sadd.s32 s3, s9;
	s6 =	sadd.s32 @!p0 $0x88, s6;
	s7 =	simm.s32 @p2 $0x1082  }
0x22: {  	[simem:s7], [sflag:s8] =	dma.local @!p0 [hbm:s6], $0xF7A  }
0x23: {  	s9 =	sor.u32 $0xD0000000, s2;
	s6 =	simm.s32 $0x108;
	_ =	swait.ge @!p0 [sflag:s8], $0x0  }
0x24: {  	s3 =	sadd.s32 $0x88, s3;
	s6 =	simm.s32 @!p1 $0x1082;
	[sflag:s4] =	ssyncset.s32 $0xFFFFF086  }
0x25: {  	[simem:s6], [sflag:s4] =	dma.local [hbm:s3], $0xF7A  }
0x26: {  	[smem:$0x3F97] =	sst s1;
	(tag) =	ssettag s2;
	_ =	strace s9  }
0x27: {  	s1 =	sld [smem:$0x3FA7]  }
0x28: {  	s2 =	sld [smem:$0x3FA8]  }
0x29: {  	s4 =	sld [smem:$0x3FAA]  }
0x2a: {  	p0 =	seq.s32 s5, $0x0;
	s5 =	sld [smem:$0x3FAB]  }
0x2b: {  	s6 =	sld [smem:$0x3FAC]  }
0x2c: {  	s7 =	sld [smem:$0x3FAD]  }
0x2d: {  	s3 =	simm.s32 $0x108;
	s8 =	sld [smem:$0x3FAE]  }
0x2e: {  	s3 =	simm.s32 @!p0 $0x1082;
	s9 =	sld [smem:$0x3FAF]  }
0x2f: {  	lr =	sadd.s32 s0, s3;
	s0 =	sld [smem:$0x3FA6]  }
0x30: {  	s3 =	sld [smem:$0x3FA9]  }
0x31: {  	[smem:$0x3FB2] =	sst s10  }
0x32: {  	s10 =	sld [smem:$0x3FB0];
	_ =	sdelay $0x3  }
0x33: {  	p0 =	seq.s32 s10, $0x1;
	s10 =	sld [smem:$0x3FB2];
	_ =	sdelay $0x3  }
0x34: {  	[smem:$0x3FB2] =	sst s10  }
0x35: {  	s10 =	sld [smem:$0x3FB1];
	_ =	sdelay $0x3  }
0x36: {  	p1 =	seq.s32 s10, $0x1;
	s10 =	sld [smem:$0x3FB2];
	_ =	sdelay $0x3  }
0x37: {  	[smem:$0x3FB2] =	sst s10  }
0x38: {  	s10 =	sld [smem:$0x3FB3]  }
0x39: {  	_ = 	snop;
	(pc) =	sbr.ind lr, $3  }
0x3a: {  	_ = 	snop  }
0x3b: {  	_ = 	snop  }
0x3c: {  	p2 =	seq.s32 s10, $0x1;
	s10 =	sld [smem:$0x3FB2]  }
0x3d: {  	_ =	shalt  }
0x3e: {  	_ =	shalt  }
0x3f: {  	_ =	shalt  }
0x40: {  	_ =	shalt  }
0x41: {  	_ =	shalt  }
0x42: {  	_ =	shalt  }
0x43: {  	_ =	shalt  }
0x44: {  	_ =	shalt  }
0x45: {  	_ =	shalt  }
0x46: {  	_ =	shalt  }
0x47: {  	_ =	shalt  }
0x48: {  	_ =	shalt  }
0x49: {  	_ =	shalt  }
0x4a: {  	_ =	shalt  }
0x4b: {  	_ =	shalt  }
0x4c: {  	_ =	shalt  }
0x4d: {  	_ =	shalt  }
0x4e: {  	_ =	shalt  }
0x4f: {  	_ =	shalt  }
0x50: {  	_ =	shalt  }
0x51: {  	_ =	shalt  }
0x52: {  	_ =	shalt  }
0x53: {  	_ =	shalt  }
0x54: {  	_ =	shalt  }
0x55: {  	_ =	shalt  }
0x56: {  	_ =	shalt  }
0x57: {  	_ =	shalt  }
0x58: {  	_ =	shalt  }
0x59: {  	_ =	shalt  }
0x5a: {  	_ =	shalt  }
0x5b: {  	_ =	shalt  }
0x5c: {  	_ =	shalt  }
0x5d: {  	_ =	shalt  }
0x5e: {  	_ =	shalt  }
0x5f: {  	_ =	shalt  }
0x60: {  	_ =	shalt  }
0x61: {  	_ =	shalt  }
0x62: {  	_ =	shalt  }
0x63: {  	_ =	shalt  }
0x64: {  	_ =	shalt  }
0x65: {  	_ =	shalt  }
0x66: {  	_ =	shalt  }
0x67: {  	_ =	shalt  }
0x68: {  	_ =	shalt  }
0x69: {  	_ =	shalt  }
0x6a: {  	_ =	shalt  }
0x6b: {  	_ =	shalt  }
0x6c: {  	_ =	shalt  }
0x6d: {  	_ =	shalt  }
0x6e: {  	_ =	shalt  }
0x6f: {  	_ =	shalt  }
0x70: {  	_ =	shalt  }
0x71: {  	_ =	shalt  }
0x72: {  	_ =	shalt  }
0x73: {  	_ =	shalt  }
0x74: {  	_ =	shalt  }
0x75: {  	_ =	shalt  }
0x76: {  	_ =	shalt  }
0x77: {  	_ =	shalt  }
0x78: {  	_ =	shalt  }
0x79: {  	_ =	shalt  }
0x7a: {  	_ =	shalt  }
0x7b: {  	_ =	shalt  }
0x7c: {  	_ =	shalt  }
0x7d: {  	_ =	shalt  }
0x7e: {  	_ =	shalt  }
0x7f: {  	_ =	shalt  }
0x80: {  	_ =	shalt  }
0x81: {  	_ =	shalt  }
0x82: {  	_ =	shalt  }
0x83: {  	_ =	shalt  }
0x84: {  	_ =	shalt  }
0x85: {  	_ =	shalt  }
0x86: {  	_ =	shalt  }
0x87: {  	_ =	shalt  }
.Lfunc_end0:
.L_simem_size_0:
called_computation_lowered:
.L_overlay_start_0:
0x88: {  	s2 =	sld [smem:$0x3FD9]  }
0x89: {  	s3 =	sld [smem:$0x3FFE];
	_ =	sdelay $0x1  }
0x8a: {  	s1 =	srdreg.scid  }
0x8b: {  	s0 =	sand.u32 $0x1, s1  }
0x8c: {  	s16 =	sshll.u32 s0, $0xA;
	s2 =	sadd.s32 s3, s2  }
0x8d: {  	s2 =	sadd.s32 s2, s16  }
0x8e: {  	[smem:$0x3FBE] =	sst s2  }
0x8f: {  	_ = 	snop  }
0x90: {  	(tm) =	ssettm $0x1  }
0x91: {  	s17 =	sld [smem:$0x3FFB];
	_ =	sdelay $0x3  }
0x92: {  	_ =	strace s17  }
0x93: {  	s2 =	sld [smem:$0x3FFC];
	_ =	sdelay $0x3  }
0x94: {  	_ =	strace s2  }
0x95: {  	s2 =	sld [smem:$0x3FFD];
	_ =	sdelay $0x3  }
0x96: {  	_ =	strace s2  }
0x97: {  	_ =	strace $0x8FFFFFFF  }
0x98: {  	s18 =	sld [smem:$0x3FDB];
	_ =	sdelay $0x1  }
0x99: {  	s19 =	simm.s32 $_scs_section_size  }
0x9a: {  	s4 =	simm.s32 $_size__tile_overlayer_lowered;
	s5 =	simm.s32 $_tile_overlayer_lowered  }
0x9b: {  	s22 =	simm.s32 $0x1BFF;
	s21 =	sshll.u32 s5, $0x1;
	s2 =	sadd.s32 s19, s18  }
0x9c: {  	s6 =	simm.s32 $0x0;
	s20 =	sshll.u32 s4, $0x1;
	s4 =	sadd.s32 s21, s2  }
0x9d: {  	[timem:s6], [sflag:s22] =	dma.local [hbm:s4], s20  }
0x9e: {  	_ =	swait.ge [sflag:s22], s20  }
0x9f: {  	s3 =	ssub.s32 $0x0, s20;
	[sflag:s22] =	ssyncset.done $0x0  }
0xa0: {  	[sflag:s22] =	ssyncadd.s32 s3;
	_ =	sdelay $0x1  }
0xa1: {  	s23 =	simm.s32 $0x1B8B  }
0xa2: {  	_ =	swait.ge [sflag:s23], $0x1  }
0xa3: {  	[sflag:s23] =	ssyncset.done $0x0  }
0xa4: {  	s25 =	simm.s32 $0x1B8E;
	s24 =	sld [smem:$0x3FFE];
	[sflag:s23] =	ssyncadd.s32 $0xFFFFFFFF  }
0xa5: {  	s26 =	simm.s32 $execute0_lowered;
	[smem:$0x3FD2] =	sst s25  }
0xa6: {  	s4 =	sshll.u32 s26, $0x1;
	_ =	strace $0x80000046;
	[dreg:$0x1] =	wrdreg $0xFFFFFFFF  }
0xa7: {  	s28 =	simm.s32 $_size_execute0_lowered;
	s2 =	sadd.s32 s2, s4;
	[dreg:$0x0] =	wrdreg $0x0  }
0xa8: {  	s4 =	sshll.u32 s28, $0x1;
	[dreg:$0x2] =	wrdreg s2  }
0xa9: {  	[dreg:$0x3] =	wrdreg s4  }
0xaa: {  	[dreg:$0x4] =	wrdreg $0xC0  }
0xab: {  	_ =	task [dreg:s6], $0x5FFFF  }
0xac: {  	[dreg:$0x1] =	wrdreg $0xFFFFFFFF  }
0xad: {  	[dreg:$0x0] =	wrdreg $0x60  }
0xae: {  	[dreg:$0x2] =	wrdreg s24  }
0xaf: {  	[dreg:$0x3] =	wrdreg $0x9  }
0xb0: {  	_ =	task.clear_ibuf [dreg:s6], $0x4FFFF;
	_ =	strace $0x90000046  }
0xb1: {  	s29 =	simm.s32 $0x9;
	_ =	strace $0x80000048  }
0xb2: {  	_ =	swait.ge [sflag:s29], $0x1  }
0xb3: {  	[sflag:s29] =	ssyncadd.s32 $0xFFFFFFFF  }
0xb4: {  	_ =	strace $0x90000048  }
0xb5: {  	_ =	sfence  }
0xb6: {  	s30 =	sld [smem:$0x0];
	_ =	sdelay $0x2  }
0xb7: {  	s31 =	sshll.u32 s1, $0xD;
	s1 =	sshrl.u32 s1, $0x2  }
0xb8: {  	s3 =	sand.u32 $0x4000, s31;
	s1 =	sadd.s32 s1, s30  }
0xb9: {  	s0 =	sor.u32 s3, s0;
	s1 =	sshll.u32 s1, $0x11  }
0xba: {  	s0 =	sor.u32 s1, s0  }
0xbb: {  	s0 =	sadd.s32 $0x8F2B, s0  }
0xbc: {  	[sflag:s0] =	ssyncadd.remote.s32 $0x1  }
0xbd: {  	_ =	sfence.sel $0xFFFF  }
0xbe: {  	[dreg:$0x0] =	wrdreg $0xFFFFFFFF;
	(pc) =	sbr.abs _section_cstart, $3  }
0xbf: {  	[dreg:$0x1] =	wrdreg $0xFFFFFFFF  }
0xc0: {  	_ =	task.clear_ibuf [dreg:s6], $0x2FFFF;
	_ =	strace $0x9FFFFFFF  }
0xc1: {  	(tm) =	ssettm $0x7FFFFFFF  }
tec
execute0_lowered:
.L_overlay_start_1:
0x0: {  	(tag) =	ssettag $0x1  }
0x1: {  	s1 =	srdreg.scid  }
0x2: {  	s0 =	stileid.u32;
	s17 =	sand.u32 $0x1, s1  }
0x3: {  	s30 =	sshll.u32 s0, $0xA;
	s2 =	sshll.u32 s17, $0x9  }
0x4: {  	s16 =	rddreg [dreg:$0x0];
	s14 =	sor.u32 s2, s30  }
0x5: {  	s1 =	rddreg [dreg:$0x1];
	s2 =	simm.s32 $0x0;
	s3 =	sshrl.u32 s14, $0x3  }
0x6: {  	[smem:$0x7FF] =	sst s2;
	s15 =	sadd.s32 s3, s16  }
0x7: {  	_ =	strace $0x80000047;
	s3 =	simm.s32 $0x2;
	s4 =	sadd.s32 $0x1C00, s15  }
0x8: {  	[tilespmem:s2], [sflag:$0x2] =	stream.linear.gather [hbm4b:s4+s2], $0x200, $0x38;
	[tilespmem:$0x10200] =	vst v63  }
0x9: {  	_ =	swait.ge [sflag:s3], $0x200  }
0xa: {  	s6 =	simm.s32 $0x80;
	[sflag:s3] =	ssyncset.done $0x0  }
0xb: {  	s7 =	simm.s32 $0x200;
	s5 =	sadd.s32 $0x3400, s16;
	[sflag:s3] =	ssyncadd.s32 $0xFFFFFE00  }
0xc: {  	[tilespmem:s7], [sflag:$0x1] =	stream.indirect.gather [hbm4b:s5+s6], $0x80, s2, s6, $0xb8;
	[tilespmem:$0x10200] =	vst v63  }
0xd: {  	s8 =	simm.s32 $0x4200  }
0xe: {  	[tilespmem:s8], [sflag:$0x1] =	stream.indirect.gather [hbm4b:s5+s6], $0x80, s6, s6, $0xb8;
	[tilespmem:$0x10200] =	vst v63  }
0xf: {  	s9 =	simm.s32 $0x100;
	s10 =	simm.s32 $0x8200  }
0x10: {  	[tilespmem:s10], [sflag:$0x1] =	stream.indirect.gather [hbm4b:s5+s6], $0x80, s9, s6, $0xb8;
	[tilespmem:$0x10200] =	vst v63  }
0x11: {  	s11 =	simm.s32 $0x180;
	s12 =	simm.s32 $0xC200;
	s13 =	simm.s32 $0x1  }
0x12: {  	[tilespmem:s12], [sflag:$0x1] =	stream.indirect.gather [hbm4b:s5+s6], $0x80, s11, s6, $0xb8;
	[tilespmem:$0x10200] =	vst v63  }
0x13: {  	_ =	swait.ge [sflag:s13], $0x4000  }
0x14: {  	[sflag:s13] =	ssyncset.done $0x0  }
0x15: {  	[sflag:s13] =	ssyncadd.s32 $0xFFFFC000  }
0x16: {  	_ =	swait.ge [sflag:s13], $0x4000  }
0x17: {  	[sflag:s13] =	ssyncset.done $0x0  }
0x18: {  	[sflag:s13] =	ssyncadd.s32 $0xFFFFC000  }
0x19: {  	_ =	swait.ge [sflag:s13], $0x4000  }
0x1a: {  	[sflag:s13] =	ssyncset.done $0x0  }
0x1b: {  	[sflag:s13] =	ssyncadd.s32 $0xFFFFC000  }
0x1c: {  	s14 =	sshll.u32 s14, $0x4;
	_ =	swait.ge [sflag:s13], $0x4000  }
0x1d: {  	s18 =	sadd.s32 s14, s16;
	[sflag:s13] =	ssyncset.done $0x0  }
0x1e: {  	s14 =	sadd.s32 $0x7C3400, s18;
	[sflag:s13] =	ssyncadd.s32 $0xFFFFC000  }
0x1f: {  	[hbm4b:s14+s2] =	stream.linear.scatter [tilespmem:s7], [sflag:$0x2], $0x10000, $0x38;
	[tilespmem:$0x10200] =	vst v63  }
0x20: {  	_ =	swait.ge [sflag:s3], $0x10000  }
0x21: {  	[sflag:s3] =	ssyncset.done $0x0  }
0x22: {  	s15 =	sadd.s32 $0x2C00, s15;
	[sflag:s3] =	ssyncadd.s32 $0xFFFF0000  }
0x23: {  	[tilespmem:s2], [sflag:$0x2] =	stream.linear.gather [hbm4b:s15+s2], $0x200, $0x38;
	[tilespmem:$0x10200] =	vst v63  }
0x24: {  	_ =	swait.ge [sflag:s3], $0x200  }
0x25: {  	[sflag:s3] =	ssyncset.done $0x0  }
0x26: {  	s16 =	sadd.s32 $0x3E3400, s16;
	[sflag:s3] =	ssyncadd.s32 $0xFFFFFE00  }
0x27: {  	[tilespmem:s7], [sflag:$0x1] =	stream.indirect.gather [hbm4b:s16+s6], $0x80, s2, s6, $0xb8;
	[tilespmem:$0x10200] =	vst v63  }
0x28: {  	_ = 	snop  }
0x29: {  	[tilespmem:s8], [sflag:$0x1] =	stream.indirect.gather [hbm4b:s16+s6], $0x80, s6, s6, $0xb8;
	[tilespmem:$0x10200] =	vst v63  }
0x2a: {  	_ = 	snop  }
0x2b: {  	[tilespmem:s10], [sflag:$0x1] =	stream.indirect.gather [hbm4b:s16+s6], $0x80, s9, s6, $0xb8;
	[tilespmem:$0x10200] =	vst v63  }
0x2c: {  	_ = 	snop  }
0x2d: {  	[tilespmem:s12], [sflag:$0x1] =	stream.indirect.gather [hbm4b:s16+s6], $0x80, s11, s6, $0xb8;
	[tilespmem:$0x10200] =	vst v63  }
0x2e: {  	_ =	swait.ge [sflag:s13], $0x4000  }
0x2f: {  	[sflag:s13] =	ssyncset.done $0x0  }
0x30: {  	[sflag:s13] =	ssyncadd.s32 $0xFFFFC000  }
0x31: {  	_ =	swait.ge [sflag:s13], $0x4000  }
0x32: {  	[sflag:s13] =	ssyncset.done $0x0  }
0x33: {  	s17 =	ssub.s32 $0x2, s17;
	[sflag:s13] =	ssyncadd.s32 $0xFFFFC000  }
0x34: {  	s19 =	sshrl.u32 s17, $0x1;
	_ =	swait.ge [sflag:s13], $0x4000  }
0x35: {  	s19 =	ssub.s32 s17, s19;
	[sflag:s13] =	ssyncset.done $0x0  }
0x36: {  	s31 =	smax.u32 s19, $0x1;
	[sflag:s13] =	ssyncadd.s32 $0xFFFFC000  }
0x37: {  	p0 =	sne.s32 s31, $0x1;
	_ =	swait.ge [sflag:s13], $0x4000  }
.Ltmp0:
0x38: {  	[sflag:s13] =	ssyncset.done $0x0;
	(pc) =	sbr.rel @!p0 .LBB2_2-.Ltmp0, $4  }
0x39: {  	s17 =	sadd.s32 $0x803400, s18;
	[sflag:s13] =	ssyncadd.s32 $0xFFFFC000  }
0x3a: {  	[hbm4b:s17+s2] =	stream.linear.scatter [tilespmem:s7], [sflag:$0x2], $0x10000, $0x38;
	[tilespmem:$0x10200] =	vst v63  }
0x3b: {  	_ =	swait.ge [sflag:s3], $0x10000  }
0x3c: {  	s18 =	sadd.s32 $0xFFFFFFFF, s31;
	[sflag:s3] =	ssyncset.done $0x0  }
.LBB2_1:
0x3d: {  	p0 =	sne.s32 s18, $0x1;
	s18 =	sadd.s32 $0xFFFFFFFF, s18;
	[sflag:s3] =	ssyncadd.s32 $0xFFFF0000  }
0x3e: {  	[tilespmem:s2], [sflag:$0x2] =	stream.linear.gather [hbm4b:s4+s2], $0x200, $0x38;
	[tilespmem:$0x10200] =	vst v63  }
0x3f: {  	_ =	swait.ge [sflag:s3], $0x200  }
0x40: {  	[sflag:s3] =	ssyncset.done $0x0  }
0x41: {  	[sflag:s3] =	ssyncadd.s32 $0xFFFFFE00  }
0x42: {  	[tilespmem:s7], [sflag:$0x1] =	stream.indirect.gather [hbm4b:s5+s6], $0x80, s2, s6, $0xb8;
	[tilespmem:$0x10200] =	vst v63  }
0x43: {  	_ = 	snop  }
0x44: {  	[tilespmem:s8], [sflag:$0x1] =	stream.indirect.gather [hbm4b:s5+s6], $0x80, s6, s6, $0xb8;
	[tilespmem:$0x10200] =	vst v63  }
0x45: {  	_ = 	snop  }
0x46: {  	[tilespmem:s10], [sflag:$0x1] =	stream.indirect.gather [hbm4b:s5+s6], $0x80, s9, s6, $0xb8;
	[tilespmem:$0x10200] =	vst v63  }
0x47: {  	_ = 	snop  }
0x48: {  	[tilespmem:s12], [sflag:$0x1] =	stream.indirect.gather [hbm4b:s5+s6], $0x80, s11, s6, $0xb8;
	[tilespmem:$0x10200] =	vst v63  }
0x49: {  	_ =	swait.ge [sflag:s13], $0x4000  }
0x4a: {  	[sflag:s13] =	ssyncset.done $0x0  }
0x4b: {  	[sflag:s13] =	ssyncadd.s32 $0xFFFFC000  }
0x4c: {  	_ =	swait.ge [sflag:s13], $0x4000  }
0x4d: {  	[sflag:s13] =	ssyncset.done $0x0  }
0x4e: {  	[sflag:s13] =	ssyncadd.s32 $0xFFFFC000  }
0x4f: {  	_ =	swait.ge [sflag:s13], $0x4000  }
0x50: {  	[sflag:s13] =	ssyncset.done $0x0  }
0x51: {  	[sflag:s13] =	ssyncadd.s32 $0xFFFFC000  }
0x52: {  	_ =	swait.ge [sflag:s13], $0x4000  }
0x53: {  	[sflag:s13] =	ssyncset.done $0x0  }
0x54: {  	[sflag:s13] =	ssyncadd.s32 $0xFFFFC000  }
0x55: {  	[hbm4b:s14+s2] =	stream.linear.scatter [tilespmem:s7], [sflag:$0x2], $0x10000, $0x38;
	[tilespmem:$0x10200] =	vst v63  }
0x56: {  	_ =	swait.ge [sflag:s3], $0x10000  }
0x57: {  	[sflag:s3] =	ssyncset.done $0x0  }
0x58: {  	[sflag:s3] =	ssyncadd.s32 $0xFFFF0000  }
0x59: {  	[tilespmem:s2], [sflag:$0x2] =	stream.linear.gather [hbm4b:s15+s2], $0x200, $0x38;
	[tilespmem:$0x10200] =	vst v63  }
0x5a: {  	_ =	swait.ge [sflag:s3], $0x200  }
0x5b: {  	[sflag:s3] =	ssyncset.done $0x0  }
0x5c: {  	[sflag:s3] =	ssyncadd.s32 $0xFFFFFE00  }
0x5d: {  	[tilespmem:s7], [sflag:$0x1] =	stream.indirect.gather [hbm4b:s16+s6], $0x80, s2, s6, $0xb8;
	[tilespmem:$0x10200] =	vst v63  }
0x5e: {  	_ = 	snop  }
0x5f: {  	[tilespmem:s8], [sflag:$0x1] =	stream.indirect.gather [hbm4b:s16+s6], $0x80, s6, s6, $0xb8;
	[tilespmem:$0x10200] =	vst v63  }
0x60: {  	_ = 	snop  }
0x61: {  	[tilespmem:s10], [sflag:$0x1] =	stream.indirect.gather [hbm4b:s16+s6], $0x80, s9, s6, $0xb8;
	[tilespmem:$0x10200] =	vst v63  }
0x62: {  	_ = 	snop  }
0x63: {  	[tilespmem:s12], [sflag:$0x1] =	stream.indirect.gather [hbm4b:s16+s6], $0x80, s11, s6, $0xb8;
	[tilespmem:$0x10200] =	vst v63  }
0x64: {  	_ =	swait.ge [sflag:s13], $0x4000  }
0x65: {  	[sflag:s13] =	ssyncset.done $0x0  }
0x66: {  	[sflag:s13] =	ssyncadd.s32 $0xFFFFC000  }
0x67: {  	_ =	swait.ge [sflag:s13], $0x4000  }
0x68: {  	[sflag:s13] =	ssyncset.done $0x0  }
0x69: {  	[sflag:s13] =	ssyncadd.s32 $0xFFFFC000  }
0x6a: {  	_ =	swait.ge [sflag:s13], $0x4000  }
0x6b: {  	[sflag:s13] =	ssyncset.done $0x0  }
0x6c: {  	[sflag:s13] =	ssyncadd.s32 $0xFFFFC000  }
0x6d: {  	_ =	swait.ge [sflag:s13], $0x4000  }
.Ltmp1:
0x6e: {  	[sflag:s13] =	ssyncset.done $0x0;
	(pc) =	sbr.rel @p0 .LBB2_1-.Ltmp1, $4  }
0x6f: {  	[sflag:s13] =	ssyncadd.s32 $0xFFFFC000  }
0x70: {  	[hbm4b:s17+s2] =	stream.linear.scatter [tilespmem:s7], [sflag:$0x2], $0x10000, $0x38;
	[tilespmem:$0x10200] =	vst v63  }
0x71: {  	_ =	swait.ge [sflag:s3], $0x10000  }
0x72: {  	[sflag:s3] =	ssyncset.done $0x0  }
.LBB2_2:
0x73: {  	[sflag:s3] =	ssyncadd.s32 $0xFFFF0000  }
0x74: {  	_ =	sfence.sel $0x180000  }
0x75: {  	[bflag:$0x0] =	sbarrier.arrive $0xFFFF  }
0x76: {  	p0 =	sne.s32 s0, $0x0;
	_ =	strace $0x90000047  }
0x77: {  	s0 =	sadd.s32 @!p0 $0x100000, s1;
	[bflag:$0x2] =	sbarrier.arrive $0xFFFF  }
0x78: {  	[sflag:s0] =	ssyncadd.tile.s32 @!p0 $0x1;
	_ =	shalt  }
.Lfunc_end2:
_tile_overlayer_lowered:
.L_overlay_start_2:
0x79: {  	(tag) =	ssettag $0x2  }
0x7a: {  	s0 =	rddreg [dreg:$0x0];
	s2 =	stileid.u32  }
0x7b: {  	s1 =	rddreg [dreg:$0x1];
	p0 =	sne.s32 s2, $0x0  }
0x7c: {  	s3 =	rddreg [dreg:$0x2];
	[bflag:$0x3] =	sbarrier.arrive $0xFFFF;
	s2 =	simm.s32 @!p0 $0x1C02  }
0x7d: {  	[timem:s3], [sflag:s2] =	dma.local @!p0 [hbm:s0], s1  }
0x7e: {  	s0 =	simm.s32 @!p0 $0x2  }
0x7f: {  	_ =	swait.ge @!p0 [sflag:s0], s1  }
0x80: {  	s1 =	ssub.s32 @!p0 $0x0, s1;
	[sflag:s0] =	ssyncset.done @!p0 $0x0  }
0x81: {  	[sflag:s0] =	ssyncadd.s32 @!p0 s1  }
0x82: {  	[bflag:$0x3] =	sbarrier.arrive $0xFFFF  }
0x83: {  	_ =	shalt  }

</sc_bundles>
